<compile_context>
chip_gen: v7x
topology: tpu7x:2x2x1
jax: 0.10.2.dev20260603
libtpu: 0.0.44.dev20260713+nightly
codegen_flags: <defaults>
</compile_context>

<pallas_src>
import jax
import jax.numpy as jnp
from jax import lax
from jax.experimental import pallas as pl
from jax.experimental.pallas import tpu as pltpu
from jax.experimental.pallas import tpu_sc as plsc

B, S, D = 4, 4096, 2048
NC, NS = 2, 16
NW = NC * NS
DW = 256
ND = D // DW
NV = DW // 16
S_CHUNK = 64
N_CHUNK = S // S_CHUNK
NB = 3
N_GROUP = N_CHUNK // NB


def _scan_chunk(in_ref, out_ref, carry):
    def row(s, carry):
        new = []
        for j in range(NV):
            x = in_ref[s, pl.ds(j * 16, 16)]
            acc = carry[j] + x
            out_ref[s, pl.ds(j * 16, 16)] = acc
            new.append(acc)
        return tuple(new)

    return lax.fori_loop(0, S_CHUNK, row, carry)


def _cumsum_body(val_hbm, out_hbm, ins, outs, sls, sss):
    wid = lax.axis_index("s") * NC + lax.axis_index("c")
    b = wid // ND
    d0 = pl.multiple_of((wid % ND) * DW, DW)

    def hbm_in(c):
        s0 = pl.multiple_of(c * S_CHUNK, S_CHUNK)
        return val_hbm.at[b, pl.ds(s0, S_CHUNK), pl.ds(d0, DW)]

    def hbm_out(c):
        s0 = pl.multiple_of(c * S_CHUNK, S_CHUNK)
        return out_hbm.at[b, pl.ds(s0, S_CHUNK), pl.ds(d0, DW)]

    def start_load(c, k):
        pltpu.async_copy(hbm_in(c), ins[k], sls[k])

    def wait_load(c, k):
        pltpu.make_async_copy(hbm_in(c), ins[k], sls[k]).wait()

    def start_store(c, k):
        pltpu.async_copy(outs[k], hbm_out(c), sss[k])

    def wait_store(c, k):
        pltpu.make_async_copy(outs[k], hbm_out(c), sss[k]).wait()

    for c in range(NB - 1):
        start_load(c, c % NB)
    carry0 = tuple(jnp.zeros((16,), jnp.float32) for _ in range(NV))

    def group(i, carry):
        for k in range(NB):
            c = i * NB + k

            @pl.when(c + NB - 1 < N_CHUNK)
            def _():
                start_load(c + NB - 1, (k + NB - 1) % NB)

            wait_load(c, k)

            @pl.when(c >= NB)
            def _():
                wait_store(c - NB, k)

            carry = _scan_chunk(ins[k], outs[k], carry)
            start_store(c, k)
        return carry

    carry = lax.fori_loop(0, N_GROUP, group, carry0)

    kt = (N_CHUNK - 1) % NB
    wait_load(N_CHUNK - 1, kt)
    wait_store(N_CHUNK - 1 - NB, kt)
    carry = _scan_chunk(ins[kt], outs[kt], carry)
    start_store(N_CHUNK - 1, kt)

    for c in range(N_CHUNK - NB, N_CHUNK):
        wait_store(c, c % NB)


@jax.jit
def kernel(val):
    mesh = plsc.VectorSubcoreMesh(core_axis_name="c", subcore_axis_name="s")

    def body(val_hbm, out_hbm, *scratch):
        _cumsum_body(val_hbm, out_hbm, scratch[:NB], scratch[NB:2 * NB],
                     scratch[2 * NB:3 * NB], scratch[3 * NB:])

    f = pl.kernel(
        body,
        out_type=jax.ShapeDtypeStruct((B, S, D), jnp.float32),
        mesh=mesh,
        scratch_types=(
            [pltpu.VMEM((S_CHUNK, DW), jnp.float32)] * (2 * NB)
            + [pltpu.SemaphoreType.DMA] * (2 * NB)
        ),
    )
    return f(val)

# --- scband reference (transcript-rebuilt; emitter-appended) ---
"""Pipeline reference for scband-cumsum-static-module-86492051407140 (READ-ONLY COPY).

The authoritative reference and input builder live on the scoring server;
editing this copy changes nothing except your own understanding.
"""

import jax, jax.numpy as jnp
import numpy as np

def setup_inputs(seed: int = 0) -> dict:
    key = jax.random.key(seed)
    val = jax.random.normal(key, (4, 4096, 2048), dtype=jnp.float32)
    return {"val": val}

def reference(val):
    return jnp.cumsum(val, axis=1)

if __name__ == "__main__":
    import jax
    _d = setup_inputs()
    print(jax.jit(kernel)(*tuple(_d.values())))

</pallas_src>

<mosaic_0001>
#map = affine_map<(d0, d1) -> (0, 0, 0)>
module attributes {stable_mosaic.version = 14 : i64} {
  func.func @body(%arg0: i32, %arg1: i32, %arg2: memref<4x4096x2048xf32, #tpu.memory_space<hbm>>, %arg3: memref<4x4096x2048xf32, #tpu.memory_space<hbm>>, %arg4: memref<64x256xf32, #tpu.memory_space<vmem>>, %arg5: memref<64x256xf32, #tpu.memory_space<vmem>>, %arg6: memref<64x256xf32, #tpu.memory_space<vmem>>, %arg7: memref<64x256xf32, #tpu.memory_space<vmem>>, %arg8: memref<64x256xf32, #tpu.memory_space<vmem>>, %arg9: memref<64x256xf32, #tpu.memory_space<vmem>>, %arg10: memref<!tpu.dma_semaphore, #tpu.memory_space<semaphore_mem>>, %arg11: memref<!tpu.dma_semaphore, #tpu.memory_space<semaphore_mem>>, %arg12: memref<!tpu.dma_semaphore, #tpu.memory_space<semaphore_mem>>, %arg13: memref<!tpu.dma_semaphore, #tpu.memory_space<semaphore_mem>>, %arg14: memref<!tpu.dma_semaphore, #tpu.memory_space<semaphore_mem>>, %arg15: memref<!tpu.dma_semaphore, #tpu.memory_space<semaphore_mem>>) attributes {dimension_semantics = [#tpu.dimension_semantics<core_parallel>, #tpu.dimension_semantics<subcore_parallel>], iteration_bounds = array<i64: 2, 16>, scalar_prefetch = 0 : i64, scratch_operands = 12 : i64, tpu.core_type = #tpu.core_type<sc_vector_subcore>, window_params = [{transform_indices = #map}, {transform_indices = #map}]} {
    %mul3A = arith.constant 2 : i32
    %mul3A_0 = arith.muli %arg1, %mul3A : i32
    %add3A = arith.addi %mul3A_0, %arg0 : i32
    %jit3A = arith.constant 8 : i32
    %div3A = arith.divsi %add3A, %jit3A : i32
    %sign3A = arith.constant 0 : i32
    %sign3A_1 = arith.cmpi sgt, %add3A, %sign3A : i32
    %sign3A_2 = arith.extui %sign3A_1 : i1 to i32
    %sign3A_3 = arith.constant 0 : i32
    %sign3A_4 = arith.cmpi slt, %add3A, %sign3A_3 : i32
    %sign3A_5 = arith.extui %sign3A_4 : i1 to i32
    %sign3A_6 = arith.subi %sign3A_2, %sign3A_5 : i32
    %sign3A_7 = arith.constant 0 : i32
    %sign3A_8 = arith.cmpi sgt, %jit3A, %sign3A_7 : i32
    %sign3A_9 = arith.extui %sign3A_8 : i1 to i32
    %sign3A_10 = arith.constant 0 : i32
    %sign3A_11 = arith.cmpi slt, %jit3A, %sign3A_10 : i32
    %sign3A_12 = arith.extui %sign3A_11 : i1 to i32
    %sign3A_13 = arith.subi %sign3A_9, %sign3A_12 : i32
    %ne3A = arith.cmpi ne, %sign3A_6, %sign3A_13 : i32
    %rem3A = arith.remsi %add3A, %jit3A : i32
    %ne3A_14 = arith.constant 0 : i32
    %ne3A_15 = arith.cmpi ne, %rem3A, %ne3A_14 : i32
    %and3A = arith.andi %ne3A, %ne3A_15 : i1
    %sub3A = arith.constant 1 : i32
    %sub3A_16 = arith.subi %div3A, %sub3A : i32
    %select_n3A = arith.select %and3A, %sub3A_16, %div3A : i32
    %jit3A_17 = arith.constant 8 : i32
    %eq3A = arith.constant 0 : i32
    %eq3A_18 = arith.cmpi eq, %jit3A_17, %eq3A : i32
    %jit3A_19 = arith.constant 1 : i32
    %select_n3A_20 = arith.select %eq3A_18, %jit3A_19, %jit3A_17 : i32
    %rem3A_21 = arith.remsi %add3A, %select_n3A_20 : i32
    %ne3A_22 = arith.constant 0 : i32
    %ne3A_23 = arith.cmpi ne, %rem3A_21, %ne3A_22 : i32
    %lt3A = arith.constant 0 : i32
    %lt3A_24 = arith.cmpi slt, %rem3A_21, %lt3A : i32
    %lt3A_25 = arith.constant 0 : i32
    %lt3A_26 = arith.cmpi slt, %select_n3A_20, %lt3A_25 : i32
    %ne3A_27 = arith.xori %lt3A_24, %lt3A_26 : i1
    %and3A_28 = arith.andi %ne3A_27, %ne3A_23 : i1
    %add3A_29 = arith.addi %rem3A_21, %select_n3A_20 : i32
    %select_n3A_30 = arith.select %and3A_28, %add3A_29, %rem3A_21 : i32
    %mul3A_31 = arith.constant 256 : i32
    %mul3A_32 = arith.muli %select_n3A_30, %mul3A_31 : i32
    %multiple_of3A = tpu.assume_multiple %mul3A_32, 256 : i32
    %multiple_of3A_33 = arith.constant 0 : i32
    %multiple_of3A_34 = tpu.assume_multiple %multiple_of3A_33, 64 : i32
    %dma_start3A = tpu.memref_slice %arg2[%select_n3A, %multiple_of3A_34, %multiple_of3A] : memref<4x4096x2048xf32, #tpu.memory_space<hbm>> -> memref<1x64x256xf32, #tpu.memory_space<hbm>>
    %dma_start3A_35 = tpu.memref_squeeze %dma_start3A : memref<1x64x256xf32, #tpu.memory_space<hbm>> -> memref<64x256xf32, #tpu.memory_space<hbm>>
    %dma_start3A_36 = tpu.memref_slice %arg2[%select_n3A, %multiple_of3A_34, %multiple_of3A] : memref<4x4096x2048xf32, #tpu.memory_space<hbm>> -> memref<1x64x256xf32, #tpu.memory_space<hbm>>
    %dma_start3A_37 = tpu.memref_squeeze %dma_start3A_36 : memref<1x64x256xf32, #tpu.memory_space<hbm>> -> memref<64x256xf32, #tpu.memory_space<hbm>>
    tpu.enqueue_dma source(%dma_start3A_37 : memref<64x256xf32, #tpu.memory_space<hbm>>) target(%arg4 : memref<64x256xf32, #tpu.memory_space<vmem>>) target_semaphore(%arg10 : memref<!tpu.dma_semaphore, #tpu.memory_space<semaphore_mem>>)
    %multiple_of3A_38 = arith.constant 64 : i32
    %multiple_of3A_39 = tpu.assume_multiple %multiple_of3A_38, 64 : i32
    %dma_start3A_40 = tpu.memref_slice %arg2[%select_n3A, %multiple_of3A_39, %multiple_of3A] : memref<4x4096x2048xf32, #tpu.memory_space<hbm>> -> memref<1x64x256xf32, #tpu.memory_space<hbm>>
    %dma_start3A_41 = tpu.memref_squeeze %dma_start3A_40 : memref<1x64x256xf32, #tpu.memory_space<hbm>> -> memref<64x256xf32, #tpu.memory_space<hbm>>
    %dma_start3A_42 = tpu.memref_slice %arg2[%select_n3A, %multiple_of3A_39, %multiple_of3A] : memref<4x4096x2048xf32, #tpu.memory_space<hbm>> -> memref<1x64x256xf32, #tpu.memory_space<hbm>>
    %dma_start3A_43 = tpu.memref_squeeze %dma_start3A_42 : memref<1x64x256xf32, #tpu.memory_space<hbm>> -> memref<64x256xf32, #tpu.memory_space<hbm>>
    tpu.enqueue_dma source(%dma_start3A_43 : memref<64x256xf32, #tpu.memory_space<hbm>>) target(%arg5 : memref<64x256xf32, #tpu.memory_space<vmem>>) target_semaphore(%arg11 : memref<!tpu.dma_semaphore, #tpu.memory_space<semaphore_mem>>)
    %broadcast_in_dim3A = arith.constant 0.000000e+00 : f32
    %broadcast_in_dim3A_44 = vector.broadcast %broadcast_in_dim3A : f32 to vector<16xf32>
    %broadcast_in_dim3A_45 = arith.constant 0.000000e+00 : f32
    %broadcast_in_dim3A_46 = vector.broadcast %broadcast_in_dim3A_45 : f32 to vector<16xf32>
    %broadcast_in_dim3A_47 = arith.constant 0.000000e+00 : f32
    %broadcast_in_dim3A_48 = vector.broadcast %broadcast_in_dim3A_47 : f32 to vector<16xf32>
    %broadcast_in_dim3A_49 = arith.constant 0.000000e+00 : f32
    %broadcast_in_dim3A_50 = vector.broadcast %broadcast_in_dim3A_49 : f32 to vector<16xf32>
    %broadcast_in_dim3A_51 = arith.constant 0.000000e+00 : f32
    %broadcast_in_dim3A_52 = vector.broadcast %broadcast_in_dim3A_51 : f32 to vector<16xf32>
    %broadcast_in_dim3A_53 = arith.constant 0.000000e+00 : f32
    %broadcast_in_dim3A_54 = vector.broadcast %broadcast_in_dim3A_53 : f32 to vector<16xf32>
    %broadcast_in_dim3A_55 = arith.constant 0.000000e+00 : f32
    %broadcast_in_dim3A_56 = vector.broadcast %broadcast_in_dim3A_55 : f32 to vector<16xf32>
    %broadcast_in_dim3A_57 = arith.constant 0.000000e+00 : f32
    %broadcast_in_dim3A_58 = vector.broadcast %broadcast_in_dim3A_57 : f32 to vector<16xf32>
    %broadcast_in_dim3A_59 = arith.constant 0.000000e+00 : f32
    %broadcast_in_dim3A_60 = vector.broadcast %broadcast_in_dim3A_59 : f32 to vector<16xf32>
    %broadcast_in_dim3A_61 = arith.constant 0.000000e+00 : f32
    %broadcast_in_dim3A_62 = vector.broadcast %broadcast_in_dim3A_61 : f32 to vector<16xf32>
    %broadcast_in_dim3A_63 = arith.constant 0.000000e+00 : f32
    %broadcast_in_dim3A_64 = vector.broadcast %broadcast_in_dim3A_63 : f32 to vector<16xf32>
    %broadcast_in_dim3A_65 = arith.constant 0.000000e+00 : f32
    %broadcast_in_dim3A_66 = vector.broadcast %broadcast_in_dim3A_65 : f32 to vector<16xf32>
    %broadcast_in_dim3A_67 = arith.constant 0.000000e+00 : f32
    %broadcast_in_dim3A_68 = vector.broadcast %broadcast_in_dim3A_67 : f32 to vector<16xf32>
    %broadcast_in_dim3A_69 = arith.constant 0.000000e+00 : f32
    %broadcast_in_dim3A_70 = vector.broadcast %broadcast_in_dim3A_69 : f32 to vector<16xf32>
    %broadcast_in_dim3A_71 = arith.constant 0.000000e+00 : f32
    %broadcast_in_dim3A_72 = vector.broadcast %broadcast_in_dim3A_71 : f32 to vector<16xf32>
    %broadcast_in_dim3A_73 = arith.constant 0.000000e+00 : f32
    %broadcast_in_dim3A_74 = vector.broadcast %broadcast_in_dim3A_73 : f32 to vector<16xf32>
    %scan3A = arith.constant 0 : i32
    %scan3A_75 = arith.constant 21 : i32
    %scan3A_76 = arith.addi %scan3A, %scan3A_75 : i32
    %scan3A_77 = arith.constant 1 : i32
    %scan3A_78:16 = scf.for %scan3A_121 = %scan3A to %scan3A_76 step %scan3A_77 iter_args(%scan3A_122 = %broadcast_in_dim3A_44, %scan3A_123 = %broadcast_in_dim3A_46, %scan3A_124 = %broadcast_in_dim3A_48, %scan3A_125 = %broadcast_in_dim3A_50, %scan3A_126 = %broadcast_in_dim3A_52, %scan3A_127 = %broadcast_in_dim3A_54, %scan3A_128 = %broadcast_in_dim3A_56, %scan3A_129 = %broadcast_in_dim3A_58, %scan3A_130 = %broadcast_in_dim3A_60, %scan3A_131 = %broadcast_in_dim3A_62, %scan3A_132 = %broadcast_in_dim3A_64, %scan3A_133 = %broadcast_in_dim3A_66, %scan3A_134 = %broadcast_in_dim3A_68, %scan3A_135 = %broadcast_in_dim3A_70, %scan3A_136 = %broadcast_in_dim3A_72, %scan3A_137 = %broadcast_in_dim3A_74) -> (vector<16xf32>, vector<16xf32>, vector<16xf32>, vector<16xf32>, vector<16xf32>, vector<16xf32>, vector<16xf32>, vector<16xf32>, vector<16xf32>, vector<16xf32>, vector<16xf32>, vector<16xf32>, vector<16xf32>, vector<16xf32>, vector<16xf32>, vector<16xf32>)  : i32 {
      %mul3A_138 = arith.constant 3 : i32
      %mul3A_139 = arith.muli %scan3A_121, %mul3A_138 : i32
      %add3A_140 = arith.constant 0 : i32
      %add3A_141 = arith.addi %mul3A_139, %add3A_140 : i32
      %add3A_142 = arith.constant 3 : i32
      %add3A_143 = arith.addi %add3A_141, %add3A_142 : i32
      %sub3A_144 = arith.constant 1 : i32
      %sub3A_145 = arith.subi %add3A_143, %sub3A_144 : i32
      %lt3A_146 = arith.constant 64 : i32
      %lt3A_147 = arith.cmpi slt, %sub3A_145, %lt3A_146 : i32
      %convert_element_type3A = arith.extui %lt3A_147 : i1 to i32
      %cond3A = arith.constant 0 : i32
      %cond3A_148 = arith.cmpi ne, %convert_element_type3A, %cond3A : i32
      scf.if %cond3A_148 {
        %add3A_249 = arith.constant 3 : i32
        %add3A_250 = arith.addi %add3A_141, %add3A_249 : i32
        %sub3A_251 = arith.constant 1 : i32
        %sub3A_252 = arith.subi %add3A_250, %sub3A_251 : i32
        %mul3A_253 = arith.constant 64 : i32
        %mul3A_254 = arith.muli %sub3A_252, %mul3A_253 : i32
        %multiple_of3A_255 = tpu.assume_multiple %mul3A_254, 64 : i32
        %dma_start3A_256 = tpu.memref_slice %arg2[%select_n3A, %multiple_of3A_255, %multiple_of3A] : memref<4x4096x2048xf32, #tpu.memory_space<hbm>> -> memref<1x64x256xf32, #tpu.memory_space<hbm>>
        %dma_start3A_257 = tpu.memref_squeeze %dma_start3A_256 : memref<1x64x256xf32, #tpu.memory_space<hbm>> -> memref<64x256xf32, #tpu.memory_space<hbm>>
        %dma_start3A_258 = tpu.memref_slice %arg2[%select_n3A, %multiple_of3A_255, %multiple_of3A] : memref<4x4096x2048xf32, #tpu.memory_space<hbm>> -> memref<1x64x256xf32, #tpu.memory_space<hbm>>
        %dma_start3A_259 = tpu.memref_squeeze %dma_start3A_258 : memref<1x64x256xf32, #tpu.memory_space<hbm>> -> memref<64x256xf32, #tpu.memory_space<hbm>>
        tpu.enqueue_dma source(%dma_start3A_259 : memref<64x256xf32, #tpu.memory_space<hbm>>) target(%arg6 : memref<64x256xf32, #tpu.memory_space<vmem>>) target_semaphore(%arg12 : memref<!tpu.dma_semaphore, #tpu.memory_space<semaphore_mem>>)
      } else {
      }
      %mul3A_149 = arith.constant 64 : i32
      %mul3A_150 = arith.muli %add3A_141, %mul3A_149 : i32
      %multiple_of3A_151 = tpu.assume_multiple %mul3A_150, 64 : i32
      %dma_wait3A_152 = tpu.memref_slice %arg2[%select_n3A, %multiple_of3A_151, %multiple_of3A] : memref<4x4096x2048xf32, #tpu.memory_space<hbm>> -> memref<1x64x256xf32, #tpu.memory_space<hbm>>
      %dma_wait3A_153 = tpu.memref_squeeze %dma_wait3A_152 : memref<1x64x256xf32, #tpu.memory_space<hbm>> -> memref<64x256xf32, #tpu.memory_space<hbm>>
      %dma_wait3A_154 = tpu.memref_slice %arg2[%select_n3A, %multiple_of3A_151, %multiple_of3A] : memref<4x4096x2048xf32, #tpu.memory_space<hbm>> -> memref<1x64x256xf32, #tpu.memory_space<hbm>>
      %dma_wait3A_155 = tpu.memref_squeeze %dma_wait3A_154 : memref<1x64x256xf32, #tpu.memory_space<hbm>> -> memref<64x256xf32, #tpu.memory_space<hbm>>
      tpu.wait_dma2 semaphore(%arg10 : memref<!tpu.dma_semaphore, #tpu.memory_space<semaphore_mem>>) src(%dma_wait3A_155 : memref<64x256xf32, #tpu.memory_space<hbm>>) dst(%arg4 : memref<64x256xf32, #tpu.memory_space<vmem>>)
      %ge3A = arith.constant 3 : i32
      %ge3A_156 = arith.cmpi sge, %add3A_141, %ge3A : i32
      %convert_element_type3A_157 = arith.extui %ge3A_156 : i1 to i32
      %cond3A_158 = arith.constant 0 : i32
      %cond3A_159 = arith.cmpi ne, %convert_element_type3A_157, %cond3A_158 : i32
      scf.if %cond3A_159 {
        %sub3A_249 = arith.constant 3 : i32
        %sub3A_250 = arith.subi %add3A_141, %sub3A_249 : i32
        %mul3A_251 = arith.constant 64 : i32
        %mul3A_252 = arith.muli %sub3A_250, %mul3A_251 : i32
        %multiple_of3A_253 = tpu.assume_multiple %mul3A_252, 64 : i32
        %dma_wait3A_254 = tpu.memref_slice %arg3[%select_n3A, %multiple_of3A_253, %multiple_of3A] : memref<4x4096x2048xf32, #tpu.memory_space<hbm>> -> memref<1x64x256xf32, #tpu.memory_space<hbm>>
        %dma_wait3A_255 = tpu.memref_squeeze %dma_wait3A_254 : memref<1x64x256xf32, #tpu.memory_space<hbm>> -> memref<64x256xf32, #tpu.memory_space<hbm>>
        %dma_wait3A_256 = tpu.memref_slice %arg3[%select_n3A, %multiple_of3A_253, %multiple_of3A] : memref<4x4096x2048xf32, #tpu.memory_space<hbm>> -> memref<1x64x256xf32, #tpu.memory_space<hbm>>
        %dma_wait3A_257 = tpu.memref_squeeze %dma_wait3A_256 : memref<1x64x256xf32, #tpu.memory_space<hbm>> -> memref<64x256xf32, #tpu.memory_space<hbm>>
        tpu.wait_dma2 semaphore(%arg13 : memref<!tpu.dma_semaphore, #tpu.memory_space<semaphore_mem>>) src(%arg7 : memref<64x256xf32, #tpu.memory_space<vmem>>) dst(%dma_wait3A_257 : memref<64x256xf32, #tpu.memory_space<hbm>>)
      } else {
      }
      %scan3A_160 = arith.constant 0 : i32
      %scan3A_161 = arith.constant 64 : i32
      %scan3A_162 = arith.addi %scan3A_160, %scan3A_161 : i32
      %scan3A_163 = arith.constant 1 : i32
      %scan3A_164:16 = scf.for %scan3A_249 = %scan3A_160 to %scan3A_162 step %scan3A_163 iter_args(%scan3A_250 = %scan3A_122, %scan3A_251 = %scan3A_123, %scan3A_252 = %scan3A_124, %scan3A_253 = %scan3A_125, %scan3A_254 = %scan3A_126, %scan3A_255 = %scan3A_127, %scan3A_256 = %scan3A_128, %scan3A_257 = %scan3A_129, %scan3A_258 = %scan3A_130, %scan3A_259 = %scan3A_131, %scan3A_260 = %scan3A_132, %scan3A_261 = %scan3A_133, %scan3A_262 = %scan3A_134, %scan3A_263 = %scan3A_135, %scan3A_264 = %scan3A_136, %scan3A_265 = %scan3A_137) -> (vector<16xf32>, vector<16xf32>, vector<16xf32>, vector<16xf32>, vector<16xf32>, vector<16xf32>, vector<16xf32>, vector<16xf32>, vector<16xf32>, vector<16xf32>, vector<16xf32>, vector<16xf32>, vector<16xf32>, vector<16xf32>, vector<16xf32>, vector<16xf32>)  : i32 {
        %get3A = arith.index_cast %scan3A_249 : i32 to index
        %get3A_266 = arith.constant 0 : index
        %get3A_267 = tpu.vector_load %arg4[%get3A, %get3A_266] {strides = array<i32>} : memref<64x256xf32, #tpu.memory_space<vmem>>, vector<1x16xf32>,
        %get3A_268 = vector.shape_cast %get3A_267 : vector<1x16xf32> to vector<16xf32>
        %add3A_269 = arith.addf %scan3A_250, %get3A_268 : vector<16xf32>
        %swap3A = arith.index_cast %scan3A_249 : i32 to index
        %swap3A_270 = arith.constant 0 : index
        %swap3A_271 = tpu.vector_load %arg7[%swap3A, %swap3A_270] {strides = array<i32>} : memref<64x256xf32, #tpu.memory_space<vmem>>, vector<1x16xf32>,
        %swap3A_272 = vector.shape_cast %swap3A_271 : vector<1x16xf32> to vector<16xf32>
        %swap3A_273 = vector.shape_cast %add3A_269 : vector<16xf32> to vector<1x16xf32>
        tpu.vector_store %arg7[%swap3A, %swap3A_270], %swap3A_273 {strides = array<i32>} : memref<64x256xf32, #tpu.memory_space<vmem>>, vector<1x16xf32>,
        %get3A_274 = arith.index_cast %scan3A_249 : i32 to index
        %get3A_275 = arith.constant 16 : index
        %get3A_276 = tpu.vector_load %arg4[%get3A_274, %get3A_275] {strides = array<i32>} : memref<64x256xf32, #tpu.memory_space<vmem>>, vector<1x16xf32>,
        %get3A_277 = vector.shape_cast %get3A_276 : vector<1x16xf32> to vector<16xf32>
        %add3A_278 = arith.addf %scan3A_251, %get3A_277 : vector<16xf32>
        %swap3A_279 = arith.index_cast %scan3A_249 : i32 to index
        %swap3A_280 = arith.constant 16 : index
        %swap3A_281 = tpu.vector_load %arg7[%swap3A_279, %swap3A_280] {strides = array<i32>} : memref<64x256xf32, #tpu.memory_space<vmem>>, vector<1x16xf32>,
        %swap3A_282 = vector.shape_cast %swap3A_281 : vector<1x16xf32> to vector<16xf32>
        %swap3A_283 = vector.shape_cast %add3A_278 : vector<16xf32> to vector<1x16xf32>
        tpu.vector_store %arg7[%swap3A_279, %swap3A_280], %swap3A_283 {strides = array<i32>} : memref<64x256xf32, #tpu.memory_space<vmem>>, vector<1x16xf32>,
        %get3A_284 = arith.index_cast %scan3A_249 : i32 to index
        %get3A_285 = arith.constant 32 : index
        %get3A_286 = tpu.vector_load %arg4[%get3A_284, %get3A_285] {strides = array<i32>} : memref<64x256xf32, #tpu.memory_space<vmem>>, vector<1x16xf32>,
        %get3A_287 = vector.shape_cast %get3A_286 : vector<1x16xf32> to vector<16xf32>
        %add3A_288 = arith.addf %scan3A_252, %get3A_287 : vector<16xf32>
        %swap3A_289 = arith.index_cast %scan3A_249 : i32 to index
        %swap3A_290 = arith.constant 32 : index
        %swap3A_291 = tpu.vector_load %arg7[%swap3A_289, %swap3A_290] {strides = array<i32>} : memref<64x256xf32, #tpu.memory_space<vmem>>, vector<1x16xf32>,
        %swap3A_292 = vector.shape_cast %swap3A_291 : vector<1x16xf32> to vector<16xf32>
        %swap3A_293 = vector.shape_cast %add3A_288 : vector<16xf32> to vector<1x16xf32>
        tpu.vector_store %arg7[%swap3A_289, %swap3A_290], %swap3A_293 {strides = array<i32>} : memref<64x256xf32, #tpu.memory_space<vmem>>, vector<1x16xf32>,
        %get3A_294 = arith.index_cast %scan3A_249 : i32 to index
        %get3A_295 = arith.constant 48 : index
        %get3A_296 = tpu.vector_load %arg4[%get3A_294, %get3A_295] {strides = array<i32>} : memref<64x256xf32, #tpu.memory_space<vmem>>, vector<1x16xf32>,
        %get3A_297 = vector.shape_cast %get3A_296 : vector<1x16xf32> to vector<16xf32>
        %add3A_298 = arith.addf %scan3A_253, %get3A_297 : vector<16xf32>
        %swap3A_299 = arith.index_cast %scan3A_249 : i32 to index
        %swap3A_300 = arith.constant 48 : index
        %swap3A_301 = tpu.vector_load %arg7[%swap3A_299, %swap3A_300] {strides = array<i32>} : memref<64x256xf32, #tpu.memory_space<vmem>>, vector<1x16xf32>,
        %swap3A_302 = vector.shape_cast %swap3A_301 : vector<1x16xf32> to vector<16xf32>
        %swap3A_303 = vector.shape_cast %add3A_298 : vector<16xf32> to vector<1x16xf32>
        tpu.vector_store %arg7[%swap3A_299, %swap3A_300], %swap3A_303 {strides = array<i32>} : memref<64x256xf32, #tpu.memory_space<vmem>>, vector<1x16xf32>,
        %get3A_304 = arith.index_cast %scan3A_249 : i32 to index
        %get3A_305 = arith.constant 64 : index
        %get3A_306 = tpu.vector_load %arg4[%get3A_304, %get3A_305] {strides = array<i32>} : memref<64x256xf32, #tpu.memory_space<vmem>>, vector<1x16xf32>,
        %get3A_307 = vector.shape_cast %get3A_306 : vector<1x16xf32> to vector<16xf32>
        %add3A_308 = arith.addf %scan3A_254, %get3A_307 : vector<16xf32>
        %swap3A_309 = arith.index_cast %scan3A_249 : i32 to index
        %swap3A_310 = arith.constant 64 : index
        %swap3A_311 = tpu.vector_load %arg7[%swap3A_309, %swap3A_310] {strides = array<i32>} : memref<64x256xf32, #tpu.memory_space<vmem>>, vector<1x16xf32>,
        %swap3A_312 = vector.shape_cast %swap3A_311 : vector<1x16xf32> to vector<16xf32>
        %swap3A_313 = vector.shape_cast %add3A_308 : vector<16xf32> to vector<1x16xf32>
        tpu.vector_store %arg7[%swap3A_309, %swap3A_310], %swap3A_313 {strides = array<i32>} : memref<64x256xf32, #tpu.memory_space<vmem>>, vector<1x16xf32>,
        %get3A_314 = arith.index_cast %scan3A_249 : i32 to index
        %get3A_315 = arith.constant 80 : index
        %get3A_316 = tpu.vector_load %arg4[%get3A_314, %get3A_315] {strides = array<i32>} : memref<64x256xf32, #tpu.memory_space<vmem>>, vector<1x16xf32>,
        %get3A_317 = vector.shape_cast %get3A_316 : vector<1x16xf32> to vector<16xf32>
        %add3A_318 = arith.addf %scan3A_255, %get3A_317 : vector<16xf32>
        %swap3A_319 = arith.index_cast %scan3A_249 : i32 to index
        %swap3A_320 = arith.constant 80 : index
        %swap3A_321 = tpu.vector_load %arg7[%swap3A_319, %swap3A_320] {strides = array<i32>} : memref<64x256xf32, #tpu.memory_space<vmem>>, vector<1x16xf32>,
        %swap3A_322 = vector.shape_cast %swap3A_321 : vector<1x16xf32> to vector<16xf32>
        %swap3A_323 = vector.shape_cast %add3A_318 : vector<16xf32> to vector<1x16xf32>
        tpu.vector_store %arg7[%swap3A_319, %swap3A_320], %swap3A_323 {strides = array<i32>} : memref<64x256xf32, #tpu.memory_space<vmem>>, vector<1x16xf32>,
        %get3A_324 = arith.index_cast %scan3A_249 : i32 to index
        %get3A_325 = arith.constant 96 : index
        %get3A_326 = tpu.vector_load %arg4[%get3A_324, %get3A_325] {strides = array<i32>} : memref<64x256xf32, #tpu.memory_space<vmem>>, vector<1x16xf32>,
        %get3A_327 = vector.shape_cast %get3A_326 : vector<1x16xf32> to vector<16xf32>
        %add3A_328 = arith.addf %scan3A_256, %get3A_327 : vector<16xf32>
        %swap3A_329 = arith.index_cast %scan3A_249 : i32 to index
        %swap3A_330 = arith.constant 96 : index
        %swap3A_331 = tpu.vector_load %arg7[%swap3A_329, %swap3A_330] {strides = array<i32>} : memref<64x256xf32, #tpu.memory_space<vmem>>, vector<1x16xf32>,
        %swap3A_332 = vector.shape_cast %swap3A_331 : vector<1x16xf32> to vector<16xf32>
        %swap3A_333 = vector.shape_cast %add3A_328 : vector<16xf32> to vector<1x16xf32>
        tpu.vector_store %arg7[%swap3A_329, %swap3A_330], %swap3A_333 {strides = array<i32>} : memref<64x256xf32, #tpu.memory_space<vmem>>, vector<1x16xf32>,
        %get3A_334 = arith.index_cast %scan3A_249 : i32 to index
        %get3A_335 = arith.constant 112 : index
        %get3A_336 = tpu.vector_load %arg4[%get3A_334, %get3A_335] {strides = array<i32>} : memref<64x256xf32, #tpu.memory_space<vmem>>, vector<1x16xf32>,
        %get3A_337 = vector.shape_cast %get3A_336 : vector<1x16xf32> to vector<16xf32>
        %add3A_338 = arith.addf %scan3A_257, %get3A_337 : vector<16xf32>
        %swap3A_339 = arith.index_cast %scan3A_249 : i32 to index
        %swap3A_340 = arith.constant 112 : index
        %swap3A_341 = tpu.vector_load %arg7[%swap3A_339, %swap3A_340] {strides = array<i32>} : memref<64x256xf32, #tpu.memory_space<vmem>>, vector<1x16xf32>,
        %swap3A_342 = vector.shape_cast %swap3A_341 : vector<1x16xf32> to vector<16xf32>
        %swap3A_343 = vector.shape_cast %add3A_338 : vector<16xf32> to vector<1x16xf32>
        tpu.vector_store %arg7[%swap3A_339, %swap3A_340], %swap3A_343 {strides = array<i32>} : memref<64x256xf32, #tpu.memory_space<vmem>>, vector<1x16xf32>,
        %get3A_344 = arith.index_cast %scan3A_249 : i32 to index
        %get3A_345 = arith.constant 128 : index
        %get3A_346 = tpu.vector_load %arg4[%get3A_344, %get3A_345] {strides = array<i32>} : memref<64x256xf32, #tpu.memory_space<vmem>>, vector<1x16xf32>,
        %get3A_347 = vector.shape_cast %get3A_346 : vector<1x16xf32> to vector<16xf32>
        %add3A_348 = arith.addf %scan3A_258, %get3A_347 : vector<16xf32>
        %swap3A_349 = arith.index_cast %scan3A_249 : i32 to index
        %swap3A_350 = arith.constant 128 : index
        %swap3A_351 = tpu.vector_load %arg7[%swap3A_349, %swap3A_350] {strides = array<i32>} : memref<64x256xf32, #tpu.memory_space<vmem>>, vector<1x16xf32>,
        %swap3A_352 = vector.shape_cast %swap3A_351 : vector<1x16xf32> to vector<16xf32>
        %swap3A_353 = vector.shape_cast %add3A_348 : vector<16xf32> to vector<1x16xf32>
        tpu.vector_store %arg7[%swap3A_349, %swap3A_350], %swap3A_353 {strides = array<i32>} : memref<64x256xf32, #tpu.memory_space<vmem>>, vector<1x16xf32>,
        %get3A_354 = arith.index_cast %scan3A_249 : i32 to index
        %get3A_355 = arith.constant 144 : index
        %get3A_356 = tpu.vector_load %arg4[%get3A_354, %get3A_355] {strides = array<i32>} : memref<64x256xf32, #tpu.memory_space<vmem>>, vector<1x16xf32>,
        %get3A_357 = vector.shape_cast %get3A_356 : vector<1x16xf32> to vector<16xf32>
        %add3A_358 = arith.addf %scan3A_259, %get3A_357 : vector<16xf32>
        %swap3A_359 = arith.index_cast %scan3A_249 : i32 to index
        %swap3A_360 = arith.constant 144 : index
        %swap3A_361 = tpu.vector_load %arg7[%swap3A_359, %swap3A_360] {strides = array<i32>} : memref<64x256xf32, #tpu.memory_space<vmem>>, vector<1x16xf32>,
        %swap3A_362 = vector.shape_cast %swap3A_361 : vector<1x16xf32> to vector<16xf32>
        %swap3A_363 = vector.shape_cast %add3A_358 : vector<16xf32> to vector<1x16xf32>
        tpu.vector_store %arg7[%swap3A_359, %swap3A_360], %swap3A_363 {strides = array<i32>} : memref<64x256xf32, #tpu.memory_space<vmem>>, vector<1x16xf32>,
        %get3A_364 = arith.index_cast %scan3A_249 : i32 to index
        %get3A_365 = arith.constant 160 : index
        %get3A_366 = tpu.vector_load %arg4[%get3A_364, %get3A_365] {strides = array<i32>} : memref<64x256xf32, #tpu.memory_space<vmem>>, vector<1x16xf32>,
        %get3A_367 = vector.shape_cast %get3A_366 : vector<1x16xf32> to vector<16xf32>
        %add3A_368 = arith.addf %scan3A_260, %get3A_367 : vector<16xf32>
        %swap3A_369 = arith.index_cast %scan3A_249 : i32 to index
        %swap3A_370 = arith.constant 160 : index
        %swap3A_371 = tpu.vector_load %arg7[%swap3A_369, %swap3A_370] {strides = array<i32>} : memref<64x256xf32, #tpu.memory_space<vmem>>, vector<1x16xf32>,
        %swap3A_372 = vector.shape_cast %swap3A_371 : vector<1x16xf32> to vector<16xf32>
        %swap3A_373 = vector.shape_cast %add3A_368 : vector<16xf32> to vector<1x16xf32>
        tpu.vector_store %arg7[%swap3A_369, %swap3A_370], %swap3A_373 {strides = array<i32>} : memref<64x256xf32, #tpu.memory_space<vmem>>, vector<1x16xf32>,
        %get3A_374 = arith.index_cast %scan3A_249 : i32 to index
        %get3A_375 = arith.constant 176 : index
        %get3A_376 = tpu.vector_load %arg4[%get3A_374, %get3A_375] {strides = array<i32>} : memref<64x256xf32, #tpu.memory_space<vmem>>, vector<1x16xf32>,
        %get3A_377 = vector.shape_cast %get3A_376 : vector<1x16xf32> to vector<16xf32>
        %add3A_378 = arith.addf %scan3A_261, %get3A_377 : vector<16xf32>
        %swap3A_379 = arith.index_cast %scan3A_249 : i32 to index
        %swap3A_380 = arith.constant 176 : index
        %swap3A_381 = tpu.vector_load %arg7[%swap3A_379, %swap3A_380] {strides = array<i32>} : memref<64x256xf32, #tpu.memory_space<vmem>>, vector<1x16xf32>,
        %swap3A_382 = vector.shape_cast %swap3A_381 : vector<1x16xf32> to vector<16xf32>
        %swap3A_383 = vector.shape_cast %add3A_378 : vector<16xf32> to vector<1x16xf32>
        tpu.vector_store %arg7[%swap3A_379, %swap3A_380], %swap3A_383 {strides = array<i32>} : memref<64x256xf32, #tpu.memory_space<vmem>>, vector<1x16xf32>,
        %get3A_384 = arith.index_cast %scan3A_249 : i32 to index
        %get3A_385 = arith.constant 192 : index
        %get3A_386 = tpu.vector_load %arg4[%get3A_384, %get3A_385] {strides = array<i32>} : memref<64x256xf32, #tpu.memory_space<vmem>>, vector<1x16xf32>,
        %get3A_387 = vector.shape_cast %get3A_386 : vector<1x16xf32> to vector<16xf32>
        %add3A_388 = arith.addf %scan3A_262, %get3A_387 : vector<16xf32>
        %swap3A_389 = arith.index_cast %scan3A_249 : i32 to index
        %swap3A_390 = arith.constant 192 : index
        %swap3A_391 = tpu.vector_load %arg7[%swap3A_389, %swap3A_390] {strides = array<i32>} : memref<64x256xf32, #tpu.memory_space<vmem>>, vector<1x16xf32>,
        %swap3A_392 = vector.shape_cast %swap3A_391 : vector<1x16xf32> to vector<16xf32>
        %swap3A_393 = vector.shape_cast %add3A_388 : vector<16xf32> to vector<1x16xf32>
        tpu.vector_store %arg7[%swap3A_389, %swap3A_390], %swap3A_393 {strides = array<i32>} : memref<64x256xf32, #tpu.memory_space<vmem>>, vector<1x16xf32>,
        %get3A_394 = arith.index_cast %scan3A_249 : i32 to index
        %get3A_395 = arith.constant 208 : index
        %get3A_396 = tpu.vector_load %arg4[%get3A_394, %get3A_395] {strides = array<i32>} : memref<64x256xf32, #tpu.memory_space<vmem>>, vector<1x16xf32>,
        %get3A_397 = vector.shape_cast %get3A_396 : vector<1x16xf32> to vector<16xf32>
        %add3A_398 = arith.addf %scan3A_263, %get3A_397 : vector<16xf32>
        %swap3A_399 = arith.index_cast %scan3A_249 : i32 to index
        %swap3A_400 = arith.constant 208 : index
        %swap3A_401 = tpu.vector_load %arg7[%swap3A_399, %swap3A_400] {strides = array<i32>} : memref<64x256xf32, #tpu.memory_space<vmem>>, vector<1x16xf32>,
        %swap3A_402 = vector.shape_cast %swap3A_401 : vector<1x16xf32> to vector<16xf32>
        %swap3A_403 = vector.shape_cast %add3A_398 : vector<16xf32> to vector<1x16xf32>
        tpu.vector_store %arg7[%swap3A_399, %swap3A_400], %swap3A_403 {strides = array<i32>} : memref<64x256xf32, #tpu.memory_space<vmem>>, vector<1x16xf32>,
        %get3A_404 = arith.index_cast %scan3A_249 : i32 to index
        %get3A_405 = arith.constant 224 : index
        %get3A_406 = tpu.vector_load %arg4[%get3A_404, %get3A_405] {strides = array<i32>} : memref<64x256xf32, #tpu.memory_space<vmem>>, vector<1x16xf32>,
        %get3A_407 = vector.shape_cast %get3A_406 : vector<1x16xf32> to vector<16xf32>
        %add3A_408 = arith.addf %scan3A_264, %get3A_407 : vector<16xf32>
        %swap3A_409 = arith.index_cast %scan3A_249 : i32 to index
        %swap3A_410 = arith.constant 224 : index
        %swap3A_411 = tpu.vector_load %arg7[%swap3A_409, %swap3A_410] {strides = array<i32>} : memref<64x256xf32, #tpu.memory_space<vmem>>, vector<1x16xf32>,
        %swap3A_412 = vector.shape_cast %swap3A_411 : vector<1x16xf32> to vector<16xf32>
        %swap3A_413 = vector.shape_cast %add3A_408 : vector<16xf32> to vector<1x16xf32>
        tpu.vector_store %arg7[%swap3A_409, %swap3A_410], %swap3A_413 {strides = array<i32>} : memref<64x256xf32, #tpu.memory_space<vmem>>, vector<1x16xf32>,
        %get3A_414 = arith.index_cast %scan3A_249 : i32 to index
        %get3A_415 = arith.constant 240 : index
        %get3A_416 = tpu.vector_load %arg4[%get3A_414, %get3A_415] {strides = array<i32>} : memref<64x256xf32, #tpu.memory_space<vmem>>, vector<1x16xf32>,
        %get3A_417 = vector.shape_cast %get3A_416 : vector<1x16xf32> to vector<16xf32>
        %add3A_418 = arith.addf %scan3A_265, %get3A_417 : vector<16xf32>
        %swap3A_419 = arith.index_cast %scan3A_249 : i32 to index
        %swap3A_420 = arith.constant 240 : index
        %swap3A_421 = tpu.vector_load %arg7[%swap3A_419, %swap3A_420] {strides = array<i32>} : memref<64x256xf32, #tpu.memory_space<vmem>>, vector<1x16xf32>,
        %swap3A_422 = vector.shape_cast %swap3A_421 : vector<1x16xf32> to vector<16xf32>
        %swap3A_423 = vector.shape_cast %add3A_418 : vector<16xf32> to vector<1x16xf32>
        tpu.vector_store %arg7[%swap3A_419, %swap3A_420], %swap3A_423 {strides = array<i32>} : memref<64x256xf32, #tpu.memory_space<vmem>>, vector<1x16xf32>,
        scf.yield %add3A_269, %add3A_278, %add3A_288, %add3A_298, %add3A_308, %add3A_318, %add3A_328, %add3A_338, %add3A_348, %add3A_358, %add3A_368, %add3A_378, %add3A_388, %add3A_398, %add3A_408, %add3A_418 : vector<16xf32>, vector<16xf32>, vector<16xf32>, vector<16xf32>, vector<16xf32>, vector<16xf32>, vector<16xf32>, vector<16xf32>, vector<16xf32>, vector<16xf32>, vector<16xf32>, vector<16xf32>, vector<16xf32>, vector<16xf32>, vector<16xf32>, vector<16xf32>
      }
      %scan3A_165 = arith.constant 64 : i32
      %mul3A_166 = arith.constant 64 : i32
      %mul3A_167 = arith.muli %add3A_141, %mul3A_166 : i32
      %multiple_of3A_168 = tpu.assume_multiple %mul3A_167, 64 : i32
      %dma_start3A_169 = tpu.memref_slice %arg3[%select_n3A, %multiple_of3A_168, %multiple_of3A] : memref<4x4096x2048xf32, #tpu.memory_space<hbm>> -> memref<1x64x256xf32, #tpu.memory_space<hbm>>
      %dma_start3A_170 = tpu.memref_squeeze %dma_start3A_169 : memref<1x64x256xf32, #tpu.memory_space<hbm>> -> memref<64x256xf32, #tpu.memory_space<hbm>>
      %dma_start3A_171 = tpu.memref_slice %arg3[%select_n3A, %multiple_of3A_168, %multiple_of3A] : memref<4x4096x2048xf32, #tpu.memory_space<hbm>> -> memref<1x64x256xf32, #tpu.memory_space<hbm>>
      %dma_start3A_172 = tpu.memref_squeeze %dma_start3A_171 : memref<1x64x256xf32, #tpu.memory_space<hbm>> -> memref<64x256xf32, #tpu.memory_space<hbm>>
      tpu.enqueue_dma source(%arg7 : memref<64x256xf32, #tpu.memory_space<vmem>>) target(%dma_start3A_172 : memref<64x256xf32, #tpu.memory_space<hbm>>) target_semaphore(%arg13 : memref<!tpu.dma_semaphore, #tpu.memory_space<semaphore_mem>>)
      %mul3A_173 = arith.constant 3 : i32
      %mul3A_174 = arith.muli %scan3A_121, %mul3A_173 : i32
      %add3A_175 = arith.constant 1 : i32
      %add3A_176 = arith.addi %mul3A_174, %add3A_175 : i32
      %add3A_177 = arith.constant 3 : i32
      %add3A_178 = arith.addi %add3A_176, %add3A_177 : i32
      %sub3A_179 = arith.constant 1 : i32
      %sub3A_180 = arith.subi %add3A_178, %sub3A_179 : i32
      %lt3A_181 = arith.constant 64 : i32
      %lt3A_182 = arith.cmpi slt, %sub3A_180, %lt3A_181 : i32
      %convert_element_type3A_183 = arith.extui %lt3A_182 : i1 to i32
      %cond3A_184 = arith.constant 0 : i32
      %cond3A_185 = arith.cmpi ne, %convert_element_type3A_183, %cond3A_184 : i32
      scf.if %cond3A_185 {
        %add3A_249 = arith.constant 3 : i32
        %add3A_250 = arith.addi %add3A_176, %add3A_249 : i32
        %sub3A_251 = arith.constant 1 : i32
        %sub3A_252 = arith.subi %add3A_250, %sub3A_251 : i32
        %mul3A_253 = arith.constant 64 : i32
        %mul3A_254 = arith.muli %sub3A_252, %mul3A_253 : i32
        %multiple_of3A_255 = tpu.assume_multiple %mul3A_254, 64 : i32
        %dma_start3A_256 = tpu.memref_slice %arg2[%select_n3A, %multiple_of3A_255, %multiple_of3A] : memref<4x4096x2048xf32, #tpu.memory_space<hbm>> -> memref<1x64x256xf32, #tpu.memory_space<hbm>>
        %dma_start3A_257 = tpu.memref_squeeze %dma_start3A_256 : memref<1x64x256xf32, #tpu.memory_space<hbm>> -> memref<64x256xf32, #tpu.memory_space<hbm>>
        %dma_start3A_258 = tpu.memref_slice %arg2[%select_n3A, %multiple_of3A_255, %multiple_of3A] : memref<4x4096x2048xf32, #tpu.memory_space<hbm>> -> memref<1x64x256xf32, #tpu.memory_space<hbm>>
        %dma_start3A_259 = tpu.memref_squeeze %dma_start3A_258 : memref<1x64x256xf32, #tpu.memory_space<hbm>> -> memref<64x256xf32, #tpu.memory_space<hbm>>
        tpu.enqueue_dma source(%dma_start3A_259 : memref<64x256xf32, #tpu.memory_space<hbm>>) target(%arg4 : memref<64x256xf32, #tpu.memory_space<vmem>>) target_semaphore(%arg10 : memref<!tpu.dma_semaphore, #tpu.memory_space<semaphore_mem>>)
      } else {
      }
      %mul3A_186 = arith.constant 64 : i32
      %mul3A_187 = arith.muli %add3A_176, %mul3A_186 : i32
      %multiple_of3A_188 = tpu.assume_multiple %mul3A_187, 64 : i32
      %dma_wait3A_189 = tpu.memref_slice %arg2[%select_n3A, %multiple_of3A_188, %multiple_of3A] : memref<4x4096x2048xf32, #tpu.memory_space<hbm>> -> memref<1x64x256xf32, #tpu.memory_space<hbm>>
      %dma_wait3A_190 = tpu.memref_squeeze %dma_wait3A_189 : memref<1x64x256xf32, #tpu.memory_space<hbm>> -> memref<64x256xf32, #tpu.memory_space<hbm>>
      %dma_wait3A_191 = tpu.memref_slice %arg2[%select_n3A, %multiple_of3A_188, %multiple_of3A] : memref<4x4096x2048xf32, #tpu.memory_space<hbm>> -> memref<1x64x256xf32, #tpu.memory_space<hbm>>
      %dma_wait3A_192 = tpu.memref_squeeze %dma_wait3A_191 : memref<1x64x256xf32, #tpu.memory_space<hbm>> -> memref<64x256xf32, #tpu.memory_space<hbm>>
      tpu.wait_dma2 semaphore(%arg11 : memref<!tpu.dma_semaphore, #tpu.memory_space<semaphore_mem>>) src(%dma_wait3A_192 : memref<64x256xf32, #tpu.memory_space<hbm>>) dst(%arg5 : memref<64x256xf32, #tpu.memory_space<vmem>>)
      %ge3A_193 = arith.constant 3 : i32
      %ge3A_194 = arith.cmpi sge, %add3A_176, %ge3A_193 : i32
      %convert_element_type3A_195 = arith.extui %ge3A_194 : i1 to i32
      %cond3A_196 = arith.constant 0 : i32
      %cond3A_197 = arith.cmpi ne, %convert_element_type3A_195, %cond3A_196 : i32
      scf.if %cond3A_197 {
        %sub3A_249 = arith.constant 3 : i32
        %sub3A_250 = arith.subi %add3A_176, %sub3A_249 : i32
        %mul3A_251 = arith.constant 64 : i32
        %mul3A_252 = arith.muli %sub3A_250, %mul3A_251 : i32
        %multiple_of3A_253 = tpu.assume_multiple %mul3A_252, 64 : i32
        %dma_wait3A_254 = tpu.memref_slice %arg3[%select_n3A, %multiple_of3A_253, %multiple_of3A] : memref<4x4096x2048xf32, #tpu.memory_space<hbm>> -> memref<1x64x256xf32, #tpu.memory_space<hbm>>
        %dma_wait3A_255 = tpu.memref_squeeze %dma_wait3A_254 : memref<1x64x256xf32, #tpu.memory_space<hbm>> -> memref<64x256xf32, #tpu.memory_space<hbm>>
        %dma_wait3A_256 = tpu.memref_slice %arg3[%select_n3A, %multiple_of3A_253, %multiple_of3A] : memref<4x4096x2048xf32, #tpu.memory_space<hbm>> -> memref<1x64x256xf32, #tpu.memory_space<hbm>>
        %dma_wait3A_257 = tpu.memref_squeeze %dma_wait3A_256 : memref<1x64x256xf32, #tpu.memory_space<hbm>> -> memref<64x256xf32, #tpu.memory_space<hbm>>
        tpu.wait_dma2 semaphore(%arg14 : memref<!tpu.dma_semaphore, #tpu.memory_space<semaphore_mem>>) src(%arg8 : memref<64x256xf32, #tpu.memory_space<vmem>>) dst(%dma_wait3A_257 : memref<64x256xf32, #tpu.memory_space<hbm>>)
      } else {
      }
      %scan3A_198 = arith.constant 0 : i32
      %scan3A_199 = arith.constant 64 : i32
      %scan3A_200 = arith.addi %scan3A_198, %scan3A_199 : i32
      %scan3A_201 = arith.constant 1 : i32
      %scan3A_202:16 = scf.for %scan3A_249 = %scan3A_198 to %scan3A_200 step %scan3A_201 iter_args(%scan3A_250 = %scan3A_164#0, %scan3A_251 = %scan3A_164#1, %scan3A_252 = %scan3A_164#2, %scan3A_253 = %scan3A_164#3, %scan3A_254 = %scan3A_164#4, %scan3A_255 = %scan3A_164#5, %scan3A_256 = %scan3A_164#6, %scan3A_257 = %scan3A_164#7, %scan3A_258 = %scan3A_164#8, %scan3A_259 = %scan3A_164#9, %scan3A_260 = %scan3A_164#10, %scan3A_261 = %scan3A_164#11, %scan3A_262 = %scan3A_164#12, %scan3A_263 = %scan3A_164#13, %scan3A_264 = %scan3A_164#14, %scan3A_265 = %scan3A_164#15) -> (vector<16xf32>, vector<16xf32>, vector<16xf32>, vector<16xf32>, vector<16xf32>, vector<16xf32>, vector<16xf32>, vector<16xf32>, vector<16xf32>, vector<16xf32>, vector<16xf32>, vector<16xf32>, vector<16xf32>, vector<16xf32>, vector<16xf32>, vector<16xf32>)  : i32 {
        %get3A = arith.index_cast %scan3A_249 : i32 to index
        %get3A_266 = arith.constant 0 : index
        %get3A_267 = tpu.vector_load %arg5[%get3A, %get3A_266] {strides = array<i32>} : memref<64x256xf32, #tpu.memory_space<vmem>>, vector<1x16xf32>,
        %get3A_268 = vector.shape_cast %get3A_267 : vector<1x16xf32> to vector<16xf32>
        %add3A_269 = arith.addf %scan3A_250, %get3A_268 : vector<16xf32>
        %swap3A = arith.index_cast %scan3A_249 : i32 to index
        %swap3A_270 = arith.constant 0 : index
        %swap3A_271 = tpu.vector_load %arg8[%swap3A, %swap3A_270] {strides = array<i32>} : memref<64x256xf32, #tpu.memory_space<vmem>>, vector<1x16xf32>,
        %swap3A_272 = vector.shape_cast %swap3A_271 : vector<1x16xf32> to vector<16xf32>
        %swap3A_273 = vector.shape_cast %add3A_269 : vector<16xf32> to vector<1x16xf32>
        tpu.vector_store %arg8[%swap3A, %swap3A_270], %swap3A_273 {strides = array<i32>} : memref<64x256xf32, #tpu.memory_space<vmem>>, vector<1x16xf32>,
        %get3A_274 = arith.index_cast %scan3A_249 : i32 to index
        %get3A_275 = arith.constant 16 : index
        %get3A_276 = tpu.vector_load %arg5[%get3A_274, %get3A_275] {strides = array<i32>} : memref<64x256xf32, #tpu.memory_space<vmem>>, vector<1x16xf32>,
        %get3A_277 = vector.shape_cast %get3A_276 : vector<1x16xf32> to vector<16xf32>
        %add3A_278 = arith.addf %scan3A_251, %get3A_277 : vector<16xf32>
        %swap3A_279 = arith.index_cast %scan3A_249 : i32 to index
        %swap3A_280 = arith.constant 16 : index
        %swap3A_281 = tpu.vector_load %arg8[%swap3A_279, %swap3A_280] {strides = array<i32>} : memref<64x256xf32, #tpu.memory_space<vmem>>, vector<1x16xf32>,
        %swap3A_282 = vector.shape_cast %swap3A_281 : vector<1x16xf32> to vector<16xf32>
        %swap3A_283 = vector.shape_cast %add3A_278 : vector<16xf32> to vector<1x16xf32>
        tpu.vector_store %arg8[%swap3A_279, %swap3A_280], %swap3A_283 {strides = array<i32>} : memref<64x256xf32, #tpu.memory_space<vmem>>, vector<1x16xf32>,
        %get3A_284 = arith.index_cast %scan3A_249 : i32 to index
        %get3A_285 = arith.constant 32 : index
        %get3A_286 = tpu.vector_load %arg5[%get3A_284, %get3A_285] {strides = array<i32>} : memref<64x256xf32, #tpu.memory_space<vmem>>, vector<1x16xf32>,
        %get3A_287 = vector.shape_cast %get3A_286 : vector<1x16xf32> to vector<16xf32>
        %add3A_288 = arith.addf %scan3A_252, %get3A_287 : vector<16xf32>
        %swap3A_289 = arith.index_cast %scan3A_249 : i32 to index
        %swap3A_290 = arith.constant 32 : index
        %swap3A_291 = tpu.vector_load %arg8[%swap3A_289, %swap3A_290] {strides = array<i32>} : memref<64x256xf32, #tpu.memory_space<vmem>>, vector<1x16xf32>,
        %swap3A_292 = vector.shape_cast %swap3A_291 : vector<1x16xf32> to vector<16xf32>
        %swap3A_293 = vector.shape_cast %add3A_288 : vector<16xf32> to vector<1x16xf32>
        tpu.vector_store %arg8[%swap3A_289, %swap3A_290], %swap3A_293 {strides = array<i32>} : memref<64x256xf32, #tpu.memory_space<vmem>>, vector<1x16xf32>,
        %get3A_294 = arith.index_cast %scan3A_249 : i32 to index
        %get3A_295 = arith.constant 48 : index
        %get3A_296 = tpu.vector_load %arg5[%get3A_294, %get3A_295] {strides = array<i32>} : memref<64x256xf32, #tpu.memory_space<vmem>>, vector<1x16xf32>,
        %get3A_297 = vector.shape_cast %get3A_296 : vector<1x16xf32> to vector<16xf32>
        %add3A_298 = arith.addf %scan3A_253, %get3A_297 : vector<16xf32>
        %swap3A_299 = arith.index_cast %scan3A_249 : i32 to index
        %swap3A_300 = arith.constant 48 : index
        %swap3A_301 = tpu.vector_load %arg8[%swap3A_299, %swap3A_300] {strides = array<i32>} : memref<64x256xf32, #tpu.memory_space<vmem>>, vector<1x16xf32>,
        %swap3A_302 = vector.shape_cast %swap3A_301 : vector<1x16xf32> to vector<16xf32>
        %swap3A_303 = vector.shape_cast %add3A_298 : vector<16xf32> to vector<1x16xf32>
        tpu.vector_store %arg8[%swap3A_299, %swap3A_300], %swap3A_303 {strides = array<i32>} : memref<64x256xf32, #tpu.memory_space<vmem>>, vector<1x16xf32>,
        %get3A_304 = arith.index_cast %scan3A_249 : i32 to index
        %get3A_305 = arith.constant 64 : index
        %get3A_306 = tpu.vector_load %arg5[%get3A_304, %get3A_305] {strides = array<i32>} : memref<64x256xf32, #tpu.memory_space<vmem>>, vector<1x16xf32>,
        %get3A_307 = vector.shape_cast %get3A_306 : vector<1x16xf32> to vector<16xf32>
        %add3A_308 = arith.addf %scan3A_254, %get3A_307 : vector<16xf32>
        %swap3A_309 = arith.index_cast %scan3A_249 : i32 to index
        %swap3A_310 = arith.constant 64 : index
        %swap3A_311 = tpu.vector_load %arg8[%swap3A_309, %swap3A_310] {strides = array<i32>} : memref<64x256xf32, #tpu.memory_space<vmem>>, vector<1x16xf32>,
        %swap3A_312 = vector.shape_cast %swap3A_311 : vector<1x16xf32> to vector<16xf32>
        %swap3A_313 = vector.shape_cast %add3A_308 : vector<16xf32> to vector<1x16xf32>
        tpu.vector_store %arg8[%swap3A_309, %swap3A_310], %swap3A_313 {strides = array<i32>} : memref<64x256xf32, #tpu.memory_space<vmem>>, vector<1x16xf32>,
        %get3A_314 = arith.index_cast %scan3A_249 : i32 to index
        %get3A_315 = arith.constant 80 : index
        %get3A_316 = tpu.vector_load %arg5[%get3A_314, %get3A_315] {strides = array<i32>} : memref<64x256xf32, #tpu.memory_space<vmem>>, vector<1x16xf32>,
        %get3A_317 = vector.shape_cast %get3A_316 : vector<1x16xf32> to vector<16xf32>
        %add3A_318 = arith.addf %scan3A_255, %get3A_317 : vector<16xf32>
        %swap3A_319 = arith.index_cast %scan3A_249 : i32 to index
        %swap3A_320 = arith.constant 80 : index
        %swap3A_321 = tpu.vector_load %arg8[%swap3A_319, %swap3A_320] {strides = array<i32>} : memref<64x256xf32, #tpu.memory_space<vmem>>, vector<1x16xf32>,
        %swap3A_322 = vector.shape_cast %swap3A_321 : vector<1x16xf32> to vector<16xf32>
        %swap3A_323 = vector.shape_cast %add3A_318 : vector<16xf32> to vector<1x16xf32>
        tpu.vector_store %arg8[%swap3A_319, %swap3A_320], %swap3A_323 {strides = array<i32>} : memref<64x256xf32, #tpu.memory_space<vmem>>, vector<1x16xf32>,
        %get3A_324 = arith.index_cast %scan3A_249 : i32 to index
        %get3A_325 = arith.constant 96 : index
        %get3A_326 = tpu.vector_load %arg5[%get3A_324, %get3A_325] {strides = array<i32>} : memref<64x256xf32, #tpu.memory_space<vmem>>, vector<1x16xf32>,
        %get3A_327 = vector.shape_cast %get3A_326 : vector<1x16xf32> to vector<16xf32>
        %add3A_328 = arith.addf %scan3A_256, %get3A_327 : vector<16xf32>
        %swap3A_329 = arith.index_cast %scan3A_249 : i32 to index
        %swap3A_330 = arith.constant 96 : index
        %swap3A_331 = tpu.vector_load %arg8[%swap3A_329, %swap3A_330] {strides = array<i32>} : memref<64x256xf32, #tpu.memory_space<vmem>>, vector<1x16xf32>,
        %swap3A_332 = vector.shape_cast %swap3A_331 : vector<1x16xf32> to vector<16xf32>
        %swap3A_333 = vector.shape_cast %add3A_328 : vector<16xf32> to vector<1x16xf32>
        tpu.vector_store %arg8[%swap3A_329, %swap3A_330], %swap3A_333 {strides = array<i32>} : memref<64x256xf32, #tpu.memory_space<vmem>>, vector<1x16xf32>,
        %get3A_334 = arith.index_cast %scan3A_249 : i32 to index
        %get3A_335 = arith.constant 112 : index
        %get3A_336 = tpu.vector_load %arg5[%get3A_334, %get3A_335] {strides = array<i32>} : memref<64x256xf32, #tpu.memory_space<vmem>>, vector<1x16xf32>,
        %get3A_337 = vector.shape_cast %get3A_336 : vector<1x16xf32> to vector<16xf32>
        %add3A_338 = arith.addf %scan3A_257, %get3A_337 : vector<16xf32>
        %swap3A_339 = arith.index_cast %scan3A_249 : i32 to index
        %swap3A_340 = arith.constant 112 : index
        %swap3A_341 = tpu.vector_load %arg8[%swap3A_339, %swap3A_340] {strides = array<i32>} : memref<64x256xf32, #tpu.memory_space<vmem>>, vector<1x16xf32>,
        %swap3A_342 = vector.shape_cast %swap3A_341 : vector<1x16xf32> to vector<16xf32>
        %swap3A_343 = vector.shape_cast %add3A_338 : vector<16xf32> to vector<1x16xf32>
        tpu.vector_store %arg8[%swap3A_339, %swap3A_340], %swap3A_343 {strides = array<i32>} : memref<64x256xf32, #tpu.memory_space<vmem>>, vector<1x16xf32>,
        %get3A_344 = arith.index_cast %scan3A_249 : i32 to index
        %get3A_345 = arith.constant 128 : index
        %get3A_346 = tpu.vector_load %arg5[%get3A_344, %get3A_345] {strides = array<i32>} : memref<64x256xf32, #tpu.memory_space<vmem>>, vector<1x16xf32>,
        %get3A_347 = vector.shape_cast %get3A_346 : vector<1x16xf32> to vector<16xf32>
        %add3A_348 = arith.addf %scan3A_258, %get3A_347 : vector<16xf32>
        %swap3A_349 = arith.index_cast %scan3A_249 : i32 to index
        %swap3A_350 = arith.constant 128 : index
        %swap3A_351 = tpu.vector_load %arg8[%swap3A_349, %swap3A_350] {strides = array<i32>} : memref<64x256xf32, #tpu.memory_space<vmem>>, vector<1x16xf32>,
        %swap3A_352 = vector.shape_cast %swap3A_351 : vector<1x16xf32> to vector<16xf32>
        %swap3A_353 = vector.shape_cast %add3A_348 : vector<16xf32> to vector<1x16xf32>
        tpu.vector_store %arg8[%swap3A_349, %swap3A_350], %swap3A_353 {strides = array<i32>} : memref<64x256xf32, #tpu.memory_space<vmem>>, vector<1x16xf32>,
        %get3A_354 = arith.index_cast %scan3A_249 : i32 to index
        %get3A_355 = arith.constant 144 : index
        %get3A_356 = tpu.vector_load %arg5[%get3A_354, %get3A_355] {strides = array<i32>} : memref<64x256xf32, #tpu.memory_space<vmem>>, vector<1x16xf32>,
        %get3A_357 = vector.shape_cast %get3A_356 : vector<1x16xf32> to vector<16xf32>
        %add3A_358 = arith.addf %scan3A_259, %get3A_357 : vector<16xf32>
        %swap3A_359 = arith.index_cast %scan3A_249 : i32 to index
        %swap3A_360 = arith.constant 144 : index
        %swap3A_361 = tpu.vector_load %arg8[%swap3A_359, %swap3A_360] {strides = array<i32>} : memref<64x256xf32, #tpu.memory_space<vmem>>, vector<1x16xf32>,
        %swap3A_362 = vector.shape_cast %swap3A_361 : vector<1x16xf32> to vector<16xf32>
        %swap3A_363 = vector.shape_cast %add3A_358 : vector<16xf32> to vector<1x16xf32>
        tpu.vector_store %arg8[%swap3A_359, %swap3A_360], %swap3A_363 {strides = array<i32>} : memref<64x256xf32, #tpu.memory_space<vmem>>, vector<1x16xf32>,
        %get3A_364 = arith.index_cast %scan3A_249 : i32 to index
        %get3A_365 = arith.constant 160 : index
        %get3A_366 = tpu.vector_load %arg5[%get3A_364, %get3A_365] {strides = array<i32>} : memref<64x256xf32, #tpu.memory_space<vmem>>, vector<1x16xf32>,
        %get3A_367 = vector.shape_cast %get3A_366 : vector<1x16xf32> to vector<16xf32>
        %add3A_368 = arith.addf %scan3A_260, %get3A_367 : vector<16xf32>
        %swap3A_369 = arith.index_cast %scan3A_249 : i32 to index
        %swap3A_370 = arith.constant 160 : index
        %swap3A_371 = tpu.vector_load %arg8[%swap3A_369, %swap3A_370] {strides = array<i32>} : memref<64x256xf32, #tpu.memory_space<vmem>>, vector<1x16xf32>,
        %swap3A_372 = vector.shape_cast %swap3A_371 : vector<1x16xf32> to vector<16xf32>
        %swap3A_373 = vector.shape_cast %add3A_368 : vector<16xf32> to vector<1x16xf32>
        tpu.vector_store %arg8[%swap3A_369, %swap3A_370], %swap3A_373 {strides = array<i32>} : memref<64x256xf32, #tpu.memory_space<vmem>>, vector<1x16xf32>,
        %get3A_374 = arith.index_cast %scan3A_249 : i32 to index
        %get3A_375 = arith.constant 176 : index
        %get3A_376 = tpu.vector_load %arg5[%get3A_374, %get3A_375] {strides = array<i32>} : memref<64x256xf32, #tpu.memory_space<vmem>>, vector<1x16xf32>,
        %get3A_377 = vector.shape_cast %get3A_376 : vector<1x16xf32> to vector<16xf32>
        %add3A_378 = arith.addf %scan3A_261, %get3A_377 : vector<16xf32>
        %swap3A_379 = arith.index_cast %scan3A_249 : i32 to index
        %swap3A_380 = arith.constant 176 : index
        %swap3A_381 = tpu.vector_load %arg8[%swap3A_379, %swap3A_380] {strides = array<i32>} : memref<64x256xf32, #tpu.memory_space<vmem>>, vector<1x16xf32>,
        %swap3A_382 = vector.shape_cast %swap3A_381 : vector<1x16xf32> to vector<16xf32>
        %swap3A_383 = vector.shape_cast %add3A_378 : vector<16xf32> to vector<1x16xf32>
        tpu.vector_store %arg8[%swap3A_379, %swap3A_380], %swap3A_383 {strides = array<i32>} : memref<64x256xf32, #tpu.memory_space<vmem>>, vector<1x16xf32>,
        %get3A_384 = arith.index_cast %scan3A_249 : i32 to index
        %get3A_385 = arith.constant 192 : index
        %get3A_386 = tpu.vector_load %arg5[%get3A_384, %get3A_385] {strides = array<i32>} : memref<64x256xf32, #tpu.memory_space<vmem>>, vector<1x16xf32>,
        %get3A_387 = vector.shape_cast %get3A_386 : vector<1x16xf32> to vector<16xf32>
        %add3A_388 = arith.addf %scan3A_262, %get3A_387 : vector<16xf32>
        %swap3A_389 = arith.index_cast %scan3A_249 : i32 to index
        %swap3A_390 = arith.constant 192 : index
        %swap3A_391 = tpu.vector_load %arg8[%swap3A_389, %swap3A_390] {strides = array<i32>} : memref<64x256xf32, #tpu.memory_space<vmem>>, vector<1x16xf32>,
        %swap3A_392 = vector.shape_cast %swap3A_391 : vector<1x16xf32> to vector<16xf32>
        %swap3A_393 = vector.shape_cast %add3A_388 : vector<16xf32> to vector<1x16xf32>
        tpu.vector_store %arg8[%swap3A_389, %swap3A_390], %swap3A_393 {strides = array<i32>} : memref<64x256xf32, #tpu.memory_space<vmem>>, vector<1x16xf32>,
        %get3A_394 = arith.index_cast %scan3A_249 : i32 to index
        %get3A_395 = arith.constant 208 : index
        %get3A_396 = tpu.vector_load %arg5[%get3A_394, %get3A_395] {strides = array<i32>} : memref<64x256xf32, #tpu.memory_space<vmem>>, vector<1x16xf32>,
        %get3A_397 = vector.shape_cast %get3A_396 : vector<1x16xf32> to vector<16xf32>
        %add3A_398 = arith.addf %scan3A_263, %get3A_397 : vector<16xf32>
        %swap3A_399 = arith.index_cast %scan3A_249 : i32 to index
        %swap3A_400 = arith.constant 208 : index
        %swap3A_401 = tpu.vector_load %arg8[%swap3A_399, %swap3A_400] {strides = array<i32>} : memref<64x256xf32, #tpu.memory_space<vmem>>, vector<1x16xf32>,
        %swap3A_402 = vector.shape_cast %swap3A_401 : vector<1x16xf32> to vector<16xf32>
        %swap3A_403 = vector.shape_cast %add3A_398 : vector<16xf32> to vector<1x16xf32>
        tpu.vector_store %arg8[%swap3A_399, %swap3A_400], %swap3A_403 {strides = array<i32>} : memref<64x256xf32, #tpu.memory_space<vmem>>, vector<1x16xf32>,
        %get3A_404 = arith.index_cast %scan3A_249 : i32 to index
        %get3A_405 = arith.constant 224 : index
        %get3A_406 = tpu.vector_load %arg5[%get3A_404, %get3A_405] {strides = array<i32>} : memref<64x256xf32, #tpu.memory_space<vmem>>, vector<1x16xf32>,
        %get3A_407 = vector.shape_cast %get3A_406 : vector<1x16xf32> to vector<16xf32>
        %add3A_408 = arith.addf %scan3A_264, %get3A_407 : vector<16xf32>
        %swap3A_409 = arith.index_cast %scan3A_249 : i32 to index
        %swap3A_410 = arith.constant 224 : index
        %swap3A_411 = tpu.vector_load %arg8[%swap3A_409, %swap3A_410] {strides = array<i32>} : memref<64x256xf32, #tpu.memory_space<vmem>>, vector<1x16xf32>,
        %swap3A_412 = vector.shape_cast %swap3A_411 : vector<1x16xf32> to vector<16xf32>
        %swap3A_413 = vector.shape_cast %add3A_408 : vector<16xf32> to vector<1x16xf32>
        tpu.vector_store %arg8[%swap3A_409, %swap3A_410], %swap3A_413 {strides = array<i32>} : memref<64x256xf32, #tpu.memory_space<vmem>>, vector<1x16xf32>,
        %get3A_414 = arith.index_cast %scan3A_249 : i32 to index
        %get3A_415 = arith.constant 240 : index
        %get3A_416 = tpu.vector_load %arg5[%get3A_414, %get3A_415] {strides = array<i32>} : memref<64x256xf32, #tpu.memory_space<vmem>>, vector<1x16xf32>,
        %get3A_417 = vector.shape_cast %get3A_416 : vector<1x16xf32> to vector<16xf32>
        %add3A_418 = arith.addf %scan3A_265, %get3A_417 : vector<16xf32>
        %swap3A_419 = arith.index_cast %scan3A_249 : i32 to index
        %swap3A_420 = arith.constant 240 : index
        %swap3A_421 = tpu.vector_load %arg8[%swap3A_419, %swap3A_420] {strides = array<i32>} : memref<64x256xf32, #tpu.memory_space<vmem>>, vector<1x16xf32>,
        %swap3A_422 = vector.shape_cast %swap3A_421 : vector<1x16xf32> to vector<16xf32>
        %swap3A_423 = vector.shape_cast %add3A_418 : vector<16xf32> to vector<1x16xf32>
        tpu.vector_store %arg8[%swap3A_419, %swap3A_420], %swap3A_423 {strides = array<i32>} : memref<64x256xf32, #tpu.memory_space<vmem>>, vector<1x16xf32>,
        scf.yield %add3A_269, %add3A_278, %add3A_288, %add3A_298, %add3A_308, %add3A_318, %add3A_328, %add3A_338, %add3A_348, %add3A_358, %add3A_368, %add3A_378, %add3A_388, %add3A_398, %add3A_408, %add3A_418 : vector<16xf32>, vector<16xf32>, vector<16xf32>, vector<16xf32>, vector<16xf32>, vector<16xf32>, vector<16xf32>, vector<16xf32>, vector<16xf32>, vector<16xf32>, vector<16xf32>, vector<16xf32>, vector<16xf32>, vector<16xf32>, vector<16xf32>, vector<16xf32>
      }
      %scan3A_203 = arith.constant 64 : i32
      %mul3A_204 = arith.constant 64 : i32
      %mul3A_205 = arith.muli %add3A_176, %mul3A_204 : i32
      %multiple_of3A_206 = tpu.assume_multiple %mul3A_205, 64 : i32
      %dma_start3A_207 = tpu.memref_slice %arg3[%select_n3A, %multiple_of3A_206, %multiple_of3A] : memref<4x4096x2048xf32, #tpu.memory_space<hbm>> -> memref<1x64x256xf32, #tpu.memory_space<hbm>>
      %dma_start3A_208 = tpu.memref_squeeze %dma_start3A_207 : memref<1x64x256xf32, #tpu.memory_space<hbm>> -> memref<64x256xf32, #tpu.memory_space<hbm>>
      %dma_start3A_209 = tpu.memref_slice %arg3[%select_n3A, %multiple_of3A_206, %multiple_of3A] : memref<4x4096x2048xf32, #tpu.memory_space<hbm>> -> memref<1x64x256xf32, #tpu.memory_space<hbm>>
      %dma_start3A_210 = tpu.memref_squeeze %dma_start3A_209 : memref<1x64x256xf32, #tpu.memory_space<hbm>> -> memref<64x256xf32, #tpu.memory_space<hbm>>
      tpu.enqueue_dma source(%arg8 : memref<64x256xf32, #tpu.memory_space<vmem>>) target(%dma_start3A_210 : memref<64x256xf32, #tpu.memory_space<hbm>>) target_semaphore(%arg14 : memref<!tpu.dma_semaphore, #tpu.memory_space<semaphore_mem>>)
      %mul3A_211 = arith.constant 3 : i32
      %mul3A_212 = arith.muli %scan3A_121, %mul3A_211 : i32
      %add3A_213 = arith.constant 2 : i32
      %add3A_214 = arith.addi %mul3A_212, %add3A_213 : i32
      %add3A_215 = arith.constant 3 : i32
      %add3A_216 = arith.addi %add3A_214, %add3A_215 : i32
      %sub3A_217 = arith.constant 1 : i32
      %sub3A_218 = arith.subi %add3A_216, %sub3A_217 : i32
      %lt3A_219 = arith.constant 64 : i32
      %lt3A_220 = arith.cmpi slt, %sub3A_218, %lt3A_219 : i32
      %convert_element_type3A_221 = arith.extui %lt3A_220 : i1 to i32
      %cond3A_222 = arith.constant 0 : i32
      %cond3A_223 = arith.cmpi ne, %convert_element_type3A_221, %cond3A_222 : i32
      scf.if %cond3A_223 {
        %add3A_249 = arith.constant 3 : i32
        %add3A_250 = arith.addi %add3A_214, %add3A_249 : i32
        %sub3A_251 = arith.constant 1 : i32
        %sub3A_252 = arith.subi %add3A_250, %sub3A_251 : i32
        %mul3A_253 = arith.constant 64 : i32
        %mul3A_254 = arith.muli %sub3A_252, %mul3A_253 : i32
        %multiple_of3A_255 = tpu.assume_multiple %mul3A_254, 64 : i32
        %dma_start3A_256 = tpu.memref_slice %arg2[%select_n3A, %multiple_of3A_255, %multiple_of3A] : memref<4x4096x2048xf32, #tpu.memory_space<hbm>> -> memref<1x64x256xf32, #tpu.memory_space<hbm>>
        %dma_start3A_257 = tpu.memref_squeeze %dma_start3A_256 : memref<1x64x256xf32, #tpu.memory_space<hbm>> -> memref<64x256xf32, #tpu.memory_space<hbm>>
        %dma_start3A_258 = tpu.memref_slice %arg2[%select_n3A, %multiple_of3A_255, %multiple_of3A] : memref<4x4096x2048xf32, #tpu.memory_space<hbm>> -> memref<1x64x256xf32, #tpu.memory_space<hbm>>
        %dma_start3A_259 = tpu.memref_squeeze %dma_start3A_258 : memref<1x64x256xf32, #tpu.memory_space<hbm>> -> memref<64x256xf32, #tpu.memory_space<hbm>>
        tpu.enqueue_dma source(%dma_start3A_259 : memref<64x256xf32, #tpu.memory_space<hbm>>) target(%arg5 : memref<64x256xf32, #tpu.memory_space<vmem>>) target_semaphore(%arg11 : memref<!tpu.dma_semaphore, #tpu.memory_space<semaphore_mem>>)
      } else {
      }
      %mul3A_224 = arith.constant 64 : i32
      %mul3A_225 = arith.muli %add3A_214, %mul3A_224 : i32
      %multiple_of3A_226 = tpu.assume_multiple %mul3A_225, 64 : i32
      %dma_wait3A_227 = tpu.memref_slice %arg2[%select_n3A, %multiple_of3A_226, %multiple_of3A] : memref<4x4096x2048xf32, #tpu.memory_space<hbm>> -> memref<1x64x256xf32, #tpu.memory_space<hbm>>
      %dma_wait3A_228 = tpu.memref_squeeze %dma_wait3A_227 : memref<1x64x256xf32, #tpu.memory_space<hbm>> -> memref<64x256xf32, #tpu.memory_space<hbm>>
      %dma_wait3A_229 = tpu.memref_slice %arg2[%select_n3A, %multiple_of3A_226, %multiple_of3A] : memref<4x4096x2048xf32, #tpu.memory_space<hbm>> -> memref<1x64x256xf32, #tpu.memory_space<hbm>>
      %dma_wait3A_230 = tpu.memref_squeeze %dma_wait3A_229 : memref<1x64x256xf32, #tpu.memory_space<hbm>> -> memref<64x256xf32, #tpu.memory_space<hbm>>
      tpu.wait_dma2 semaphore(%arg12 : memref<!tpu.dma_semaphore, #tpu.memory_space<semaphore_mem>>) src(%dma_wait3A_230 : memref<64x256xf32, #tpu.memory_space<hbm>>) dst(%arg6 : memref<64x256xf32, #tpu.memory_space<vmem>>)
      %ge3A_231 = arith.constant 3 : i32
      %ge3A_232 = arith.cmpi sge, %add3A_214, %ge3A_231 : i32
      %convert_element_type3A_233 = arith.extui %ge3A_232 : i1 to i32
      %cond3A_234 = arith.constant 0 : i32
      %cond3A_235 = arith.cmpi ne, %convert_element_type3A_233, %cond3A_234 : i32
      scf.if %cond3A_235 {
        %sub3A_249 = arith.constant 3 : i32
        %sub3A_250 = arith.subi %add3A_214, %sub3A_249 : i32
        %mul3A_251 = arith.constant 64 : i32
        %mul3A_252 = arith.muli %sub3A_250, %mul3A_251 : i32
        %multiple_of3A_253 = tpu.assume_multiple %mul3A_252, 64 : i32
        %dma_wait3A_254 = tpu.memref_slice %arg3[%select_n3A, %multiple_of3A_253, %multiple_of3A] : memref<4x4096x2048xf32, #tpu.memory_space<hbm>> -> memref<1x64x256xf32, #tpu.memory_space<hbm>>
        %dma_wait3A_255 = tpu.memref_squeeze %dma_wait3A_254 : memref<1x64x256xf32, #tpu.memory_space<hbm>> -> memref<64x256xf32, #tpu.memory_space<hbm>>
        %dma_wait3A_256 = tpu.memref_slice %arg3[%select_n3A, %multiple_of3A_253, %multiple_of3A] : memref<4x4096x2048xf32, #tpu.memory_space<hbm>> -> memref<1x64x256xf32, #tpu.memory_space<hbm>>
        %dma_wait3A_257 = tpu.memref_squeeze %dma_wait3A_256 : memref<1x64x256xf32, #tpu.memory_space<hbm>> -> memref<64x256xf32, #tpu.memory_space<hbm>>
        tpu.wait_dma2 semaphore(%arg15 : memref<!tpu.dma_semaphore, #tpu.memory_space<semaphore_mem>>) src(%arg9 : memref<64x256xf32, #tpu.memory_space<vmem>>) dst(%dma_wait3A_257 : memref<64x256xf32, #tpu.memory_space<hbm>>)
      } else {
      }
      %scan3A_236 = arith.constant 0 : i32
      %scan3A_237 = arith.constant 64 : i32
      %scan3A_238 = arith.addi %scan3A_236, %scan3A_237 : i32
      %scan3A_239 = arith.constant 1 : i32
      %scan3A_240:16 = scf.for %scan3A_249 = %scan3A_236 to %scan3A_238 step %scan3A_239 iter_args(%scan3A_250 = %scan3A_202#0, %scan3A_251 = %scan3A_202#1, %scan3A_252 = %scan3A_202#2, %scan3A_253 = %scan3A_202#3, %scan3A_254 = %scan3A_202#4, %scan3A_255 = %scan3A_202#5, %scan3A_256 = %scan3A_202#6, %scan3A_257 = %scan3A_202#7, %scan3A_258 = %scan3A_202#8, %scan3A_259 = %scan3A_202#9, %scan3A_260 = %scan3A_202#10, %scan3A_261 = %scan3A_202#11, %scan3A_262 = %scan3A_202#12, %scan3A_263 = %scan3A_202#13, %scan3A_264 = %scan3A_202#14, %scan3A_265 = %scan3A_202#15) -> (vector<16xf32>, vector<16xf32>, vector<16xf32>, vector<16xf32>, vector<16xf32>, vector<16xf32>, vector<16xf32>, vector<16xf32>, vector<16xf32>, vector<16xf32>, vector<16xf32>, vector<16xf32>, vector<16xf32>, vector<16xf32>, vector<16xf32>, vector<16xf32>)  : i32 {
        %get3A = arith.index_cast %scan3A_249 : i32 to index
        %get3A_266 = arith.constant 0 : index
        %get3A_267 = tpu.vector_load %arg6[%get3A, %get3A_266] {strides = array<i32>} : memref<64x256xf32, #tpu.memory_space<vmem>>, vector<1x16xf32>,
        %get3A_268 = vector.shape_cast %get3A_267 : vector<1x16xf32> to vector<16xf32>
        %add3A_269 = arith.addf %scan3A_250, %get3A_268 : vector<16xf32>
        %swap3A = arith.index_cast %scan3A_249 : i32 to index
        %swap3A_270 = arith.constant 0 : index
        %swap3A_271 = tpu.vector_load %arg9[%swap3A, %swap3A_270] {strides = array<i32>} : memref<64x256xf32, #tpu.memory_space<vmem>>, vector<1x16xf32>,
        %swap3A_272 = vector.shape_cast %swap3A_271 : vector<1x16xf32> to vector<16xf32>
        %swap3A_273 = vector.shape_cast %add3A_269 : vector<16xf32> to vector<1x16xf32>
        tpu.vector_store %arg9[%swap3A, %swap3A_270], %swap3A_273 {strides = array<i32>} : memref<64x256xf32, #tpu.memory_space<vmem>>, vector<1x16xf32>,
        %get3A_274 = arith.index_cast %scan3A_249 : i32 to index
        %get3A_275 = arith.constant 16 : index
        %get3A_276 = tpu.vector_load %arg6[%get3A_274, %get3A_275] {strides = array<i32>} : memref<64x256xf32, #tpu.memory_space<vmem>>, vector<1x16xf32>,
        %get3A_277 = vector.shape_cast %get3A_276 : vector<1x16xf32> to vector<16xf32>
        %add3A_278 = arith.addf %scan3A_251, %get3A_277 : vector<16xf32>
        %swap3A_279 = arith.index_cast %scan3A_249 : i32 to index
        %swap3A_280 = arith.constant 16 : index
        %swap3A_281 = tpu.vector_load %arg9[%swap3A_279, %swap3A_280] {strides = array<i32>} : memref<64x256xf32, #tpu.memory_space<vmem>>, vector<1x16xf32>,
        %swap3A_282 = vector.shape_cast %swap3A_281 : vector<1x16xf32> to vector<16xf32>
        %swap3A_283 = vector.shape_cast %add3A_278 : vector<16xf32> to vector<1x16xf32>
        tpu.vector_store %arg9[%swap3A_279, %swap3A_280], %swap3A_283 {strides = array<i32>} : memref<64x256xf32, #tpu.memory_space<vmem>>, vector<1x16xf32>,
        %get3A_284 = arith.index_cast %scan3A_249 : i32 to index
        %get3A_285 = arith.constant 32 : index
        %get3A_286 = tpu.vector_load %arg6[%get3A_284, %get3A_285] {strides = array<i32>} : memref<64x256xf32, #tpu.memory_space<vmem>>, vector<1x16xf32>,
        %get3A_287 = vector.shape_cast %get3A_286 : vector<1x16xf32> to vector<16xf32>
        %add3A_288 = arith.addf %scan3A_252, %get3A_287 : vector<16xf32>
        %swap3A_289 = arith.index_cast %scan3A_249 : i32 to index
        %swap3A_290 = arith.constant 32 : index
        %swap3A_291 = tpu.vector_load %arg9[%swap3A_289, %swap3A_290] {strides = array<i32>} : memref<64x256xf32, #tpu.memory_space<vmem>>, vector<1x16xf32>,
        %swap3A_292 = vector.shape_cast %swap3A_291 : vector<1x16xf32> to vector<16xf32>
        %swap3A_293 = vector.shape_cast %add3A_288 : vector<16xf32> to vector<1x16xf32>
        tpu.vector_store %arg9[%swap3A_289, %swap3A_290], %swap3A_293 {strides = array<i32>} : memref<64x256xf32, #tpu.memory_space<vmem>>, vector<1x16xf32>,
        %get3A_294 = arith.index_cast %scan3A_249 : i32 to index
        %get3A_295 = arith.constant 48 : index
        %get3A_296 = tpu.vector_load %arg6[%get3A_294, %get3A_295] {strides = array<i32>} : memref<64x256xf32, #tpu.memory_space<vmem>>, vector<1x16xf32>,
        %get3A_297 = vector.shape_cast %get3A_296 : vector<1x16xf32> to vector<16xf32>
        %add3A_298 = arith.addf %scan3A_253, %get3A_297 : vector<16xf32>
        %swap3A_299 = arith.index_cast %scan3A_249 : i32 to index
        %swap3A_300 = arith.constant 48 : index
        %swap3A_301 = tpu.vector_load %arg9[%swap3A_299, %swap3A_300] {strides = array<i32>} : memref<64x256xf32, #tpu.memory_space<vmem>>, vector<1x16xf32>,
        %swap3A_302 = vector.shape_cast %swap3A_301 : vector<1x16xf32> to vector<16xf32>
        %swap3A_303 = vector.shape_cast %add3A_298 : vector<16xf32> to vector<1x16xf32>
        tpu.vector_store %arg9[%swap3A_299, %swap3A_300], %swap3A_303 {strides = array<i32>} : memref<64x256xf32, #tpu.memory_space<vmem>>, vector<1x16xf32>,
        %get3A_304 = arith.index_cast %scan3A_249 : i32 to index
        %get3A_305 = arith.constant 64 : index
        %get3A_306 = tpu.vector_load %arg6[%get3A_304, %get3A_305] {strides = array<i32>} : memref<64x256xf32, #tpu.memory_space<vmem>>, vector<1x16xf32>,
        %get3A_307 = vector.shape_cast %get3A_306 : vector<1x16xf32> to vector<16xf32>
        %add3A_308 = arith.addf %scan3A_254, %get3A_307 : vector<16xf32>
        %swap3A_309 = arith.index_cast %scan3A_249 : i32 to index
        %swap3A_310 = arith.constant 64 : index
        %swap3A_311 = tpu.vector_load %arg9[%swap3A_309, %swap3A_310] {strides = array<i32>} : memref<64x256xf32, #tpu.memory_space<vmem>>, vector<1x16xf32>,
        %swap3A_312 = vector.shape_cast %swap3A_311 : vector<1x16xf32> to vector<16xf32>
        %swap3A_313 = vector.shape_cast %add3A_308 : vector<16xf32> to vector<1x16xf32>
        tpu.vector_store %arg9[%swap3A_309, %swap3A_310], %swap3A_313 {strides = array<i32>} : memref<64x256xf32, #tpu.memory_space<vmem>>, vector<1x16xf32>,
        %get3A_314 = arith.index_cast %scan3A_249 : i32 to index
        %get3A_315 = arith.constant 80 : index
        %get3A_316 = tpu.vector_load %arg6[%get3A_314, %get3A_315] {strides = array<i32>} : memref<64x256xf32, #tpu.memory_space<vmem>>, vector<1x16xf32>,
        %get3A_317 = vector.shape_cast %get3A_316 : vector<1x16xf32> to vector<16xf32>
        %add3A_318 = arith.addf %scan3A_255, %get3A_317 : vector<16xf32>
        %swap3A_319 = arith.index_cast %scan3A_249 : i32 to index
        %swap3A_320 = arith.constant 80 : index
        %swap3A_321 = tpu.vector_load %arg9[%swap3A_319, %swap3A_320] {strides = array<i32>} : memref<64x256xf32, #tpu.memory_space<vmem>>, vector<1x16xf32>,
        %swap3A_322 = vector.shape_cast %swap3A_321 : vector<1x16xf32> to vector<16xf32>
        %swap3A_323 = vector.shape_cast %add3A_318 : vector<16xf32> to vector<1x16xf32>
        tpu.vector_store %arg9[%swap3A_319, %swap3A_320], %swap3A_323 {strides = array<i32>} : memref<64x256xf32, #tpu.memory_space<vmem>>, vector<1x16xf32>,
        %get3A_324 = arith.index_cast %scan3A_249 : i32 to index
        %get3A_325 = arith.constant 96 : index
        %get3A_326 = tpu.vector_load %arg6[%get3A_324, %get3A_325] {strides = array<i32>} : memref<64x256xf32, #tpu.memory_space<vmem>>, vector<1x16xf32>,
        %get3A_327 = vector.shape_cast %get3A_326 : vector<1x16xf32> to vector<16xf32>
        %add3A_328 = arith.addf %scan3A_256, %get3A_327 : vector<16xf32>
        %swap3A_329 = arith.index_cast %scan3A_249 : i32 to index
        %swap3A_330 = arith.constant 96 : index
        %swap3A_331 = tpu.vector_load %arg9[%swap3A_329, %swap3A_330] {strides = array<i32>} : memref<64x256xf32, #tpu.memory_space<vmem>>, vector<1x16xf32>,
        %swap3A_332 = vector.shape_cast %swap3A_331 : vector<1x16xf32> to vector<16xf32>
        %swap3A_333 = vector.shape_cast %add3A_328 : vector<16xf32> to vector<1x16xf32>
        tpu.vector_store %arg9[%swap3A_329, %swap3A_330], %swap3A_333 {strides = array<i32>} : memref<64x256xf32, #tpu.memory_space<vmem>>, vector<1x16xf32>,
        %get3A_334 = arith.index_cast %scan3A_249 : i32 to index
        %get3A_335 = arith.constant 112 : index
        %get3A_336 = tpu.vector_load %arg6[%get3A_334, %get3A_335] {strides = array<i32>} : memref<64x256xf32, #tpu.memory_space<vmem>>, vector<1x16xf32>,
        %get3A_337 = vector.shape_cast %get3A_336 : vector<1x16xf32> to vector<16xf32>
        %add3A_338 = arith.addf %scan3A_257, %get3A_337 : vector<16xf32>
        %swap3A_339 = arith.index_cast %scan3A_249 : i32 to index
        %swap3A_340 = arith.constant 112 : index
        %swap3A_341 = tpu.vector_load %arg9[%swap3A_339, %swap3A_340] {strides = array<i32>} : memref<64x256xf32, #tpu.memory_space<vmem>>, vector<1x16xf32>,
        %swap3A_342 = vector.shape_cast %swap3A_341 : vector<1x16xf32> to vector<16xf32>
        %swap3A_343 = vector.shape_cast %add3A_338 : vector<16xf32> to vector<1x16xf32>
        tpu.vector_store %arg9[%swap3A_339, %swap3A_340], %swap3A_343 {strides = array<i32>} : memref<64x256xf32, #tpu.memory_space<vmem>>, vector<1x16xf32>,
        %get3A_344 = arith.index_cast %scan3A_249 : i32 to index
        %get3A_345 = arith.constant 128 : index
        %get3A_346 = tpu.vector_load %arg6[%get3A_344, %get3A_345] {strides = array<i32>} : memref<64x256xf32, #tpu.memory_space<vmem>>, vector<1x16xf32>,
        %get3A_347 = vector.shape_cast %get3A_346 : vector<1x16xf32> to vector<16xf32>
        %add3A_348 = arith.addf %scan3A_258, %get3A_347 : vector<16xf32>
        %swap3A_349 = arith.index_cast %scan3A_249 : i32 to index
        %swap3A_350 = arith.constant 128 : index
        %swap3A_351 = tpu.vector_load %arg9[%swap3A_349, %swap3A_350] {strides = array<i32>} : memref<64x256xf32, #tpu.memory_space<vmem>>, vector<1x16xf32>,
        %swap3A_352 = vector.shape_cast %swap3A_351 : vector<1x16xf32> to vector<16xf32>
        %swap3A_353 = vector.shape_cast %add3A_348 : vector<16xf32> to vector<1x16xf32>
        tpu.vector_store %arg9[%swap3A_349, %swap3A_350], %swap3A_353 {strides = array<i32>} : memref<64x256xf32, #tpu.memory_space<vmem>>, vector<1x16xf32>,
        %get3A_354 = arith.index_cast %scan3A_249 : i32 to index
        %get3A_355 = arith.constant 144 : index
        %get3A_356 = tpu.vector_load %arg6[%get3A_354, %get3A_355] {strides = array<i32>} : memref<64x256xf32, #tpu.memory_space<vmem>>, vector<1x16xf32>,
        %get3A_357 = vector.shape_cast %get3A_356 : vector<1x16xf32> to vector<16xf32>
        %add3A_358 = arith.addf %scan3A_259, %get3A_357 : vector<16xf32>
        %swap3A_359 = arith.index_cast %scan3A_249 : i32 to index
        %swap3A_360 = arith.constant 144 : index
        %swap3A_361 = tpu.vector_load %arg9[%swap3A_359, %swap3A_360] {strides = array<i32>} : memref<64x256xf32, #tpu.memory_space<vmem>>, vector<1x16xf32>,
        %swap3A_362 = vector.shape_cast %swap3A_361 : vector<1x16xf32> to vector<16xf32>
        %swap3A_363 = vector.shape_cast %add3A_358 : vector<16xf32> to vector<1x16xf32>
        tpu.vector_store %arg9[%swap3A_359, %swap3A_360], %swap3A_363 {strides = array<i32>} : memref<64x256xf32, #tpu.memory_space<vmem>>, vector<1x16xf32>,
        %get3A_364 = arith.index_cast %scan3A_249 : i32 to index
        %get3A_365 = arith.constant 160 : index
        %get3A_366 = tpu.vector_load %arg6[%get3A_364, %get3A_365] {strides = array<i32>} : memref<64x256xf32, #tpu.memory_space<vmem>>, vector<1x16xf32>,
        %get3A_367 = vector.shape_cast %get3A_366 : vector<1x16xf32> to vector<16xf32>
        %add3A_368 = arith.addf %scan3A_260, %get3A_367 : vector<16xf32>
        %swap3A_369 = arith.index_cast %scan3A_249 : i32 to index
        %swap3A_370 = arith.constant 160 : index
        %swap3A_371 = tpu.vector_load %arg9[%swap3A_369, %swap3A_370] {strides = array<i32>} : memref<64x256xf32, #tpu.memory_space<vmem>>, vector<1x16xf32>,
        %swap3A_372 = vector.shape_cast %swap3A_371 : vector<1x16xf32> to vector<16xf32>
        %swap3A_373 = vector.shape_cast %add3A_368 : vector<16xf32> to vector<1x16xf32>
        tpu.vector_store %arg9[%swap3A_369, %swap3A_370], %swap3A_373 {strides = array<i32>} : memref<64x256xf32, #tpu.memory_space<vmem>>, vector<1x16xf32>,
        %get3A_374 = arith.index_cast %scan3A_249 : i32 to index
        %get3A_375 = arith.constant 176 : index
        %get3A_376 = tpu.vector_load %arg6[%get3A_374, %get3A_375] {strides = array<i32>} : memref<64x256xf32, #tpu.memory_space<vmem>>, vector<1x16xf32>,
        %get3A_377 = vector.shape_cast %get3A_376 : vector<1x16xf32> to vector<16xf32>
        %add3A_378 = arith.addf %scan3A_261, %get3A_377 : vector<16xf32>
        %swap3A_379 = arith.index_cast %scan3A_249 : i32 to index
        %swap3A_380 = arith.constant 176 : index
        %swap3A_381 = tpu.vector_load %arg9[%swap3A_379, %swap3A_380] {strides = array<i32>} : memref<64x256xf32, #tpu.memory_space<vmem>>, vector<1x16xf32>,
        %swap3A_382 = vector.shape_cast %swap3A_381 : vector<1x16xf32> to vector<16xf32>
        %swap3A_383 = vector.shape_cast %add3A_378 : vector<16xf32> to vector<1x16xf32>
        tpu.vector_store %arg9[%swap3A_379, %swap3A_380], %swap3A_383 {strides = array<i32>} : memref<64x256xf32, #tpu.memory_space<vmem>>, vector<1x16xf32>,
        %get3A_384 = arith.index_cast %scan3A_249 : i32 to index
        %get3A_385 = arith.constant 192 : index
        %get3A_386 = tpu.vector_load %arg6[%get3A_384, %get3A_385] {strides = array<i32>} : memref<64x256xf32, #tpu.memory_space<vmem>>, vector<1x16xf32>,
        %get3A_387 = vector.shape_cast %get3A_386 : vector<1x16xf32> to vector<16xf32>
        %add3A_388 = arith.addf %scan3A_262, %get3A_387 : vector<16xf32>
        %swap3A_389 = arith.index_cast %scan3A_249 : i32 to index
        %swap3A_390 = arith.constant 192 : index
        %swap3A_391 = tpu.vector_load %arg9[%swap3A_389, %swap3A_390] {strides = array<i32>} : memref<64x256xf32, #tpu.memory_space<vmem>>, vector<1x16xf32>,
        %swap3A_392 = vector.shape_cast %swap3A_391 : vector<1x16xf32> to vector<16xf32>
        %swap3A_393 = vector.shape_cast %add3A_388 : vector<16xf32> to vector<1x16xf32>
        tpu.vector_store %arg9[%swap3A_389, %swap3A_390], %swap3A_393 {strides = array<i32>} : memref<64x256xf32, #tpu.memory_space<vmem>>, vector<1x16xf32>,
        %get3A_394 = arith.index_cast %scan3A_249 : i32 to index
        %get3A_395 = arith.constant 208 : index
        %get3A_396 = tpu.vector_load %arg6[%get3A_394, %get3A_395] {strides = array<i32>} : memref<64x256xf32, #tpu.memory_space<vmem>>, vector<1x16xf32>,
        %get3A_397 = vector.shape_cast %get3A_396 : vector<1x16xf32> to vector<16xf32>
        %add3A_398 = arith.addf %scan3A_263, %get3A_397 : vector<16xf32>
        %swap3A_399 = arith.index_cast %scan3A_249 : i32 to index
        %swap3A_400 = arith.constant 208 : index
        %swap3A_401 = tpu.vector_load %arg9[%swap3A_399, %swap3A_400] {strides = array<i32>} : memref<64x256xf32, #tpu.memory_space<vmem>>, vector<1x16xf32>,
        %swap3A_402 = vector.shape_cast %swap3A_401 : vector<1x16xf32> to vector<16xf32>
        %swap3A_403 = vector.shape_cast %add3A_398 : vector<16xf32> to vector<1x16xf32>
        tpu.vector_store %arg9[%swap3A_399, %swap3A_400], %swap3A_403 {strides = array<i32>} : memref<64x256xf32, #tpu.memory_space<vmem>>, vector<1x16xf32>,
        %get3A_404 = arith.index_cast %scan3A_249 : i32 to index
        %get3A_405 = arith.constant 224 : index
        %get3A_406 = tpu.vector_load %arg6[%get3A_404, %get3A_405] {strides = array<i32>} : memref<64x256xf32, #tpu.memory_space<vmem>>, vector<1x16xf32>,
        %get3A_407 = vector.shape_cast %get3A_406 : vector<1x16xf32> to vector<16xf32>
        %add3A_408 = arith.addf %scan3A_264, %get3A_407 : vector<16xf32>
        %swap3A_409 = arith.index_cast %scan3A_249 : i32 to index
        %swap3A_410 = arith.constant 224 : index
        %swap3A_411 = tpu.vector_load %arg9[%swap3A_409, %swap3A_410] {strides = array<i32>} : memref<64x256xf32, #tpu.memory_space<vmem>>, vector<1x16xf32>,
        %swap3A_412 = vector.shape_cast %swap3A_411 : vector<1x16xf32> to vector<16xf32>
        %swap3A_413 = vector.shape_cast %add3A_408 : vector<16xf32> to vector<1x16xf32>
        tpu.vector_store %arg9[%swap3A_409, %swap3A_410], %swap3A_413 {strides = array<i32>} : memref<64x256xf32, #tpu.memory_space<vmem>>, vector<1x16xf32>,
        %get3A_414 = arith.index_cast %scan3A_249 : i32 to index
        %get3A_415 = arith.constant 240 : index
        %get3A_416 = tpu.vector_load %arg6[%get3A_414, %get3A_415] {strides = array<i32>} : memref<64x256xf32, #tpu.memory_space<vmem>>, vector<1x16xf32>,
        %get3A_417 = vector.shape_cast %get3A_416 : vector<1x16xf32> to vector<16xf32>
        %add3A_418 = arith.addf %scan3A_265, %get3A_417 : vector<16xf32>
        %swap3A_419 = arith.index_cast %scan3A_249 : i32 to index
        %swap3A_420 = arith.constant 240 : index
        %swap3A_421 = tpu.vector_load %arg9[%swap3A_419, %swap3A_420] {strides = array<i32>} : memref<64x256xf32, #tpu.memory_space<vmem>>, vector<1x16xf32>,
        %swap3A_422 = vector.shape_cast %swap3A_421 : vector<1x16xf32> to vector<16xf32>
        %swap3A_423 = vector.shape_cast %add3A_418 : vector<16xf32> to vector<1x16xf32>
        tpu.vector_store %arg9[%swap3A_419, %swap3A_420], %swap3A_423 {strides = array<i32>} : memref<64x256xf32, #tpu.memory_space<vmem>>, vector<1x16xf32>,
        scf.yield %add3A_269, %add3A_278, %add3A_288, %add3A_298, %add3A_308, %add3A_318, %add3A_328, %add3A_338, %add3A_348, %add3A_358, %add3A_368, %add3A_378, %add3A_388, %add3A_398, %add3A_408, %add3A_418 : vector<16xf32>, vector<16xf32>, vector<16xf32>, vector<16xf32>, vector<16xf32>, vector<16xf32>, vector<16xf32>, vector<16xf32>, vector<16xf32>, vector<16xf32>, vector<16xf32>, vector<16xf32>, vector<16xf32>, vector<16xf32>, vector<16xf32>, vector<16xf32>
      }
      %scan3A_241 = arith.constant 64 : i32
      %mul3A_242 = arith.constant 64 : i32
      %mul3A_243 = arith.muli %add3A_214, %mul3A_242 : i32
      %multiple_of3A_244 = tpu.assume_multiple %mul3A_243, 64 : i32
      %dma_start3A_245 = tpu.memref_slice %arg3[%select_n3A, %multiple_of3A_244, %multiple_of3A] : memref<4x4096x2048xf32, #tpu.memory_space<hbm>> -> memref<1x64x256xf32, #tpu.memory_space<hbm>>
      %dma_start3A_246 = tpu.memref_squeeze %dma_start3A_245 : memref<1x64x256xf32, #tpu.memory_space<hbm>> -> memref<64x256xf32, #tpu.memory_space<hbm>>
      %dma_start3A_247 = tpu.memref_slice %arg3[%select_n3A, %multiple_of3A_244, %multiple_of3A] : memref<4x4096x2048xf32, #tpu.memory_space<hbm>> -> memref<1x64x256xf32, #tpu.memory_space<hbm>>
      %dma_start3A_248 = tpu.memref_squeeze %dma_start3A_247 : memref<1x64x256xf32, #tpu.memory_space<hbm>> -> memref<64x256xf32, #tpu.memory_space<hbm>>
      tpu.enqueue_dma source(%arg9 : memref<64x256xf32, #tpu.memory_space<vmem>>) target(%dma_start3A_248 : memref<64x256xf32, #tpu.memory_space<hbm>>) target_semaphore(%arg15 : memref<!tpu.dma_semaphore, #tpu.memory_space<semaphore_mem>>)
      scf.yield %scan3A_240#0, %scan3A_240#1, %scan3A_240#2, %scan3A_240#3, %scan3A_240#4, %scan3A_240#5, %scan3A_240#6, %scan3A_240#7, %scan3A_240#8, %scan3A_240#9, %scan3A_240#10, %scan3A_240#11, %scan3A_240#12, %scan3A_240#13, %scan3A_240#14, %scan3A_240#15 : vector<16xf32>, vector<16xf32>, vector<16xf32>, vector<16xf32>, vector<16xf32>, vector<16xf32>, vector<16xf32>, vector<16xf32>, vector<16xf32>, vector<16xf32>, vector<16xf32>, vector<16xf32>, vector<16xf32>, vector<16xf32>, vector<16xf32>, vector<16xf32>
    }
    %scan3A_79 = arith.constant 21 : i32
    %multiple_of3A_80 = arith.constant 4032 : i32
    %multiple_of3A_81 = tpu.assume_multiple %multiple_of3A_80, 64 : i32
    %dma_wait3A = tpu.memref_slice %arg2[%select_n3A, %multiple_of3A_81, %multiple_of3A] : memref<4x4096x2048xf32, #tpu.memory_space<hbm>> -> memref<1x64x256xf32, #tpu.memory_space<hbm>>
    %dma_wait3A_82 = tpu.memref_squeeze %dma_wait3A : memref<1x64x256xf32, #tpu.memory_space<hbm>> -> memref<64x256xf32, #tpu.memory_space<hbm>>
    %dma_wait3A_83 = tpu.memref_slice %arg2[%select_n3A, %multiple_of3A_81, %multiple_of3A] : memref<4x4096x2048xf32, #tpu.memory_space<hbm>> -> memref<1x64x256xf32, #tpu.memory_space<hbm>>
    %dma_wait3A_84 = tpu.memref_squeeze %dma_wait3A_83 : memref<1x64x256xf32, #tpu.memory_space<hbm>> -> memref<64x256xf32, #tpu.memory_space<hbm>>
    tpu.wait_dma2 semaphore(%arg10 : memref<!tpu.dma_semaphore, #tpu.memory_space<semaphore_mem>>) src(%dma_wait3A_84 : memref<64x256xf32, #tpu.memory_space<hbm>>) dst(%arg4 : memref<64x256xf32, #tpu.memory_space<vmem>>)
    %multiple_of3A_85 = arith.constant 3840 : i32
    %multiple_of3A_86 = tpu.assume_multiple %multiple_of3A_85, 64 : i32
    %dma_wait3A_87 = tpu.memref_slice %arg3[%select_n3A, %multiple_of3A_86, %multiple_of3A] : memref<4x4096x2048xf32, #tpu.memory_space<hbm>> -> memref<1x64x256xf32, #tpu.memory_space<hbm>>
    %dma_wait3A_88 = tpu.memref_squeeze %dma_wait3A_87 : memref<1x64x256xf32, #tpu.memory_space<hbm>> -> memref<64x256xf32, #tpu.memory_space<hbm>>
    %dma_wait3A_89 = tpu.memref_slice %arg3[%select_n3A, %multiple_of3A_86, %multiple_of3A] : memref<4x4096x2048xf32, #tpu.memory_space<hbm>> -> memref<1x64x256xf32, #tpu.memory_space<hbm>>
    %dma_wait3A_90 = tpu.memref_squeeze %dma_wait3A_89 : memref<1x64x256xf32, #tpu.memory_space<hbm>> -> memref<64x256xf32, #tpu.memory_space<hbm>>
    tpu.wait_dma2 semaphore(%arg13 : memref<!tpu.dma_semaphore, #tpu.memory_space<semaphore_mem>>) src(%arg7 : memref<64x256xf32, #tpu.memory_space<vmem>>) dst(%dma_wait3A_90 : memref<64x256xf32, #tpu.memory_space<hbm>>)
    %scan3A_91 = arith.constant 0 : i32
    %scan3A_92 = arith.constant 64 : i32
    %scan3A_93 = arith.addi %scan3A_91, %scan3A_92 : i32
    %scan3A_94 = arith.constant 1 : i32
    %scan3A_95:16 = scf.for %scan3A_121 = %scan3A_91 to %scan3A_93 step %scan3A_94 iter_args(%scan3A_122 = %scan3A_78#0, %scan3A_123 = %scan3A_78#1, %scan3A_124 = %scan3A_78#2, %scan3A_125 = %scan3A_78#3, %scan3A_126 = %scan3A_78#4, %scan3A_127 = %scan3A_78#5, %scan3A_128 = %scan3A_78#6, %scan3A_129 = %scan3A_78#7, %scan3A_130 = %scan3A_78#8, %scan3A_131 = %scan3A_78#9, %scan3A_132 = %scan3A_78#10, %scan3A_133 = %scan3A_78#11, %scan3A_134 = %scan3A_78#12, %scan3A_135 = %scan3A_78#13, %scan3A_136 = %scan3A_78#14, %scan3A_137 = %scan3A_78#15) -> (vector<16xf32>, vector<16xf32>, vector<16xf32>, vector<16xf32>, vector<16xf32>, vector<16xf32>, vector<16xf32>, vector<16xf32>, vector<16xf32>, vector<16xf32>, vector<16xf32>, vector<16xf32>, vector<16xf32>, vector<16xf32>, vector<16xf32>, vector<16xf32>)  : i32 {
      %get3A = arith.index_cast %scan3A_121 : i32 to index
      %get3A_138 = arith.constant 0 : index
      %get3A_139 = tpu.vector_load %arg4[%get3A, %get3A_138] {strides = array<i32>} : memref<64x256xf32, #tpu.memory_space<vmem>>, vector<1x16xf32>,
      %get3A_140 = vector.shape_cast %get3A_139 : vector<1x16xf32> to vector<16xf32>
      %add3A_141 = arith.addf %scan3A_122, %get3A_140 : vector<16xf32>
      %swap3A = arith.index_cast %scan3A_121 : i32 to index
      %swap3A_142 = arith.constant 0 : index
      %swap3A_143 = tpu.vector_load %arg7[%swap3A, %swap3A_142] {strides = array<i32>} : memref<64x256xf32, #tpu.memory_space<vmem>>, vector<1x16xf32>,
      %swap3A_144 = vector.shape_cast %swap3A_143 : vector<1x16xf32> to vector<16xf32>
      %swap3A_145 = vector.shape_cast %add3A_141 : vector<16xf32> to vector<1x16xf32>
      tpu.vector_store %arg7[%swap3A, %swap3A_142], %swap3A_145 {strides = array<i32>} : memref<64x256xf32, #tpu.memory_space<vmem>>, vector<1x16xf32>,
      %get3A_146 = arith.index_cast %scan3A_121 : i32 to index
      %get3A_147 = arith.constant 16 : index
      %get3A_148 = tpu.vector_load %arg4[%get3A_146, %get3A_147] {strides = array<i32>} : memref<64x256xf32, #tpu.memory_space<vmem>>, vector<1x16xf32>,
      %get3A_149 = vector.shape_cast %get3A_148 : vector<1x16xf32> to vector<16xf32>
      %add3A_150 = arith.addf %scan3A_123, %get3A_149 : vector<16xf32>
      %swap3A_151 = arith.index_cast %scan3A_121 : i32 to index
      %swap3A_152 = arith.constant 16 : index
      %swap3A_153 = tpu.vector_load %arg7[%swap3A_151, %swap3A_152] {strides = array<i32>} : memref<64x256xf32, #tpu.memory_space<vmem>>, vector<1x16xf32>,
      %swap3A_154 = vector.shape_cast %swap3A_153 : vector<1x16xf32> to vector<16xf32>
      %swap3A_155 = vector.shape_cast %add3A_150 : vector<16xf32> to vector<1x16xf32>
      tpu.vector_store %arg7[%swap3A_151, %swap3A_152], %swap3A_155 {strides = array<i32>} : memref<64x256xf32, #tpu.memory_space<vmem>>, vector<1x16xf32>,
      %get3A_156 = arith.index_cast %scan3A_121 : i32 to index
      %get3A_157 = arith.constant 32 : index
      %get3A_158 = tpu.vector_load %arg4[%get3A_156, %get3A_157] {strides = array<i32>} : memref<64x256xf32, #tpu.memory_space<vmem>>, vector<1x16xf32>,
      %get3A_159 = vector.shape_cast %get3A_158 : vector<1x16xf32> to vector<16xf32>
      %add3A_160 = arith.addf %scan3A_124, %get3A_159 : vector<16xf32>
      %swap3A_161 = arith.index_cast %scan3A_121 : i32 to index
      %swap3A_162 = arith.constant 32 : index
      %swap3A_163 = tpu.vector_load %arg7[%swap3A_161, %swap3A_162] {strides = array<i32>} : memref<64x256xf32, #tpu.memory_space<vmem>>, vector<1x16xf32>,
      %swap3A_164 = vector.shape_cast %swap3A_163 : vector<1x16xf32> to vector<16xf32>
      %swap3A_165 = vector.shape_cast %add3A_160 : vector<16xf32> to vector<1x16xf32>
      tpu.vector_store %arg7[%swap3A_161, %swap3A_162], %swap3A_165 {strides = array<i32>} : memref<64x256xf32, #tpu.memory_space<vmem>>, vector<1x16xf32>,
      %get3A_166 = arith.index_cast %scan3A_121 : i32 to index
      %get3A_167 = arith.constant 48 : index
      %get3A_168 = tpu.vector_load %arg4[%get3A_166, %get3A_167] {strides = array<i32>} : memref<64x256xf32, #tpu.memory_space<vmem>>, vector<1x16xf32>,
      %get3A_169 = vector.shape_cast %get3A_168 : vector<1x16xf32> to vector<16xf32>
      %add3A_170 = arith.addf %scan3A_125, %get3A_169 : vector<16xf32>
      %swap3A_171 = arith.index_cast %scan3A_121 : i32 to index
      %swap3A_172 = arith.constant 48 : index
      %swap3A_173 = tpu.vector_load %arg7[%swap3A_171, %swap3A_172] {strides = array<i32>} : memref<64x256xf32, #tpu.memory_space<vmem>>, vector<1x16xf32>,
      %swap3A_174 = vector.shape_cast %swap3A_173 : vector<1x16xf32> to vector<16xf32>
      %swap3A_175 = vector.shape_cast %add3A_170 : vector<16xf32> to vector<1x16xf32>
      tpu.vector_store %arg7[%swap3A_171, %swap3A_172], %swap3A_175 {strides = array<i32>} : memref<64x256xf32, #tpu.memory_space<vmem>>, vector<1x16xf32>,
      %get3A_176 = arith.index_cast %scan3A_121 : i32 to index
      %get3A_177 = arith.constant 64 : index
      %get3A_178 = tpu.vector_load %arg4[%get3A_176, %get3A_177] {strides = array<i32>} : memref<64x256xf32, #tpu.memory_space<vmem>>, vector<1x16xf32>,
      %get3A_179 = vector.shape_cast %get3A_178 : vector<1x16xf32> to vector<16xf32>
      %add3A_180 = arith.addf %scan3A_126, %get3A_179 : vector<16xf32>
      %swap3A_181 = arith.index_cast %scan3A_121 : i32 to index
      %swap3A_182 = arith.constant 64 : index
      %swap3A_183 = tpu.vector_load %arg7[%swap3A_181, %swap3A_182] {strides = array<i32>} : memref<64x256xf32, #tpu.memory_space<vmem>>, vector<1x16xf32>,
      %swap3A_184 = vector.shape_cast %swap3A_183 : vector<1x16xf32> to vector<16xf32>
      %swap3A_185 = vector.shape_cast %add3A_180 : vector<16xf32> to vector<1x16xf32>
      tpu.vector_store %arg7[%swap3A_181, %swap3A_182], %swap3A_185 {strides = array<i32>} : memref<64x256xf32, #tpu.memory_space<vmem>>, vector<1x16xf32>,
      %get3A_186 = arith.index_cast %scan3A_121 : i32 to index
      %get3A_187 = arith.constant 80 : index
      %get3A_188 = tpu.vector_load %arg4[%get3A_186, %get3A_187] {strides = array<i32>} : memref<64x256xf32, #tpu.memory_space<vmem>>, vector<1x16xf32>,
      %get3A_189 = vector.shape_cast %get3A_188 : vector<1x16xf32> to vector<16xf32>
      %add3A_190 = arith.addf %scan3A_127, %get3A_189 : vector<16xf32>
      %swap3A_191 = arith.index_cast %scan3A_121 : i32 to index
      %swap3A_192 = arith.constant 80 : index
      %swap3A_193 = tpu.vector_load %arg7[%swap3A_191, %swap3A_192] {strides = array<i32>} : memref<64x256xf32, #tpu.memory_space<vmem>>, vector<1x16xf32>,
      %swap3A_194 = vector.shape_cast %swap3A_193 : vector<1x16xf32> to vector<16xf32>
      %swap3A_195 = vector.shape_cast %add3A_190 : vector<16xf32> to vector<1x16xf32>
      tpu.vector_store %arg7[%swap3A_191, %swap3A_192], %swap3A_195 {strides = array<i32>} : memref<64x256xf32, #tpu.memory_space<vmem>>, vector<1x16xf32>,
      %get3A_196 = arith.index_cast %scan3A_121 : i32 to index
      %get3A_197 = arith.constant 96 : index
      %get3A_198 = tpu.vector_load %arg4[%get3A_196, %get3A_197] {strides = array<i32>} : memref<64x256xf32, #tpu.memory_space<vmem>>, vector<1x16xf32>,
      %get3A_199 = vector.shape_cast %get3A_198 : vector<1x16xf32> to vector<16xf32>
      %add3A_200 = arith.addf %scan3A_128, %get3A_199 : vector<16xf32>
      %swap3A_201 = arith.index_cast %scan3A_121 : i32 to index
      %swap3A_202 = arith.constant 96 : index
      %swap3A_203 = tpu.vector_load %arg7[%swap3A_201, %swap3A_202] {strides = array<i32>} : memref<64x256xf32, #tpu.memory_space<vmem>>, vector<1x16xf32>,
      %swap3A_204 = vector.shape_cast %swap3A_203 : vector<1x16xf32> to vector<16xf32>
      %swap3A_205 = vector.shape_cast %add3A_200 : vector<16xf32> to vector<1x16xf32>
      tpu.vector_store %arg7[%swap3A_201, %swap3A_202], %swap3A_205 {strides = array<i32>} : memref<64x256xf32, #tpu.memory_space<vmem>>, vector<1x16xf32>,
      %get3A_206 = arith.index_cast %scan3A_121 : i32 to index
      %get3A_207 = arith.constant 112 : index
      %get3A_208 = tpu.vector_load %arg4[%get3A_206, %get3A_207] {strides = array<i32>} : memref<64x256xf32, #tpu.memory_space<vmem>>, vector<1x16xf32>,
      %get3A_209 = vector.shape_cast %get3A_208 : vector<1x16xf32> to vector<16xf32>
      %add3A_210 = arith.addf %scan3A_129, %get3A_209 : vector<16xf32>
      %swap3A_211 = arith.index_cast %scan3A_121 : i32 to index
      %swap3A_212 = arith.constant 112 : index
      %swap3A_213 = tpu.vector_load %arg7[%swap3A_211, %swap3A_212] {strides = array<i32>} : memref<64x256xf32, #tpu.memory_space<vmem>>, vector<1x16xf32>,
      %swap3A_214 = vector.shape_cast %swap3A_213 : vector<1x16xf32> to vector<16xf32>
      %swap3A_215 = vector.shape_cast %add3A_210 : vector<16xf32> to vector<1x16xf32>
      tpu.vector_store %arg7[%swap3A_211, %swap3A_212], %swap3A_215 {strides = array<i32>} : memref<64x256xf32, #tpu.memory_space<vmem>>, vector<1x16xf32>,
      %get3A_216 = arith.index_cast %scan3A_121 : i32 to index
      %get3A_217 = arith.constant 128 : index
      %get3A_218 = tpu.vector_load %arg4[%get3A_216, %get3A_217] {strides = array<i32>} : memref<64x256xf32, #tpu.memory_space<vmem>>, vector<1x16xf32>,
      %get3A_219 = vector.shape_cast %get3A_218 : vector<1x16xf32> to vector<16xf32>
      %add3A_220 = arith.addf %scan3A_130, %get3A_219 : vector<16xf32>
      %swap3A_221 = arith.index_cast %scan3A_121 : i32 to index
      %swap3A_222 = arith.constant 128 : index
      %swap3A_223 = tpu.vector_load %arg7[%swap3A_221, %swap3A_222] {strides = array<i32>} : memref<64x256xf32, #tpu.memory_space<vmem>>, vector<1x16xf32>,
      %swap3A_224 = vector.shape_cast %swap3A_223 : vector<1x16xf32> to vector<16xf32>
      %swap3A_225 = vector.shape_cast %add3A_220 : vector<16xf32> to vector<1x16xf32>
      tpu.vector_store %arg7[%swap3A_221, %swap3A_222], %swap3A_225 {strides = array<i32>} : memref<64x256xf32, #tpu.memory_space<vmem>>, vector<1x16xf32>,
      %get3A_226 = arith.index_cast %scan3A_121 : i32 to index
      %get3A_227 = arith.constant 144 : index
      %get3A_228 = tpu.vector_load %arg4[%get3A_226, %get3A_227] {strides = array<i32>} : memref<64x256xf32, #tpu.memory_space<vmem>>, vector<1x16xf32>,
      %get3A_229 = vector.shape_cast %get3A_228 : vector<1x16xf32> to vector<16xf32>
      %add3A_230 = arith.addf %scan3A_131, %get3A_229 : vector<16xf32>
      %swap3A_231 = arith.index_cast %scan3A_121 : i32 to index
      %swap3A_232 = arith.constant 144 : index
      %swap3A_233 = tpu.vector_load %arg7[%swap3A_231, %swap3A_232] {strides = array<i32>} : memref<64x256xf32, #tpu.memory_space<vmem>>, vector<1x16xf32>,
      %swap3A_234 = vector.shape_cast %swap3A_233 : vector<1x16xf32> to vector<16xf32>
      %swap3A_235 = vector.shape_cast %add3A_230 : vector<16xf32> to vector<1x16xf32>
      tpu.vector_store %arg7[%swap3A_231, %swap3A_232], %swap3A_235 {strides = array<i32>} : memref<64x256xf32, #tpu.memory_space<vmem>>, vector<1x16xf32>,
      %get3A_236 = arith.index_cast %scan3A_121 : i32 to index
      %get3A_237 = arith.constant 160 : index
      %get3A_238 = tpu.vector_load %arg4[%get3A_236, %get3A_237] {strides = array<i32>} : memref<64x256xf32, #tpu.memory_space<vmem>>, vector<1x16xf32>,
      %get3A_239 = vector.shape_cast %get3A_238 : vector<1x16xf32> to vector<16xf32>
      %add3A_240 = arith.addf %scan3A_132, %get3A_239 : vector<16xf32>
      %swap3A_241 = arith.index_cast %scan3A_121 : i32 to index
      %swap3A_242 = arith.constant 160 : index
      %swap3A_243 = tpu.vector_load %arg7[%swap3A_241, %swap3A_242] {strides = array<i32>} : memref<64x256xf32, #tpu.memory_space<vmem>>, vector<1x16xf32>,
      %swap3A_244 = vector.shape_cast %swap3A_243 : vector<1x16xf32> to vector<16xf32>
      %swap3A_245 = vector.shape_cast %add3A_240 : vector<16xf32> to vector<1x16xf32>
      tpu.vector_store %arg7[%swap3A_241, %swap3A_242], %swap3A_245 {strides = array<i32>} : memref<64x256xf32, #tpu.memory_space<vmem>>, vector<1x16xf32>,
      %get3A_246 = arith.index_cast %scan3A_121 : i32 to index
      %get3A_247 = arith.constant 176 : index
      %get3A_248 = tpu.vector_load %arg4[%get3A_246, %get3A_247] {strides = array<i32>} : memref<64x256xf32, #tpu.memory_space<vmem>>, vector<1x16xf32>,
      %get3A_249 = vector.shape_cast %get3A_248 : vector<1x16xf32> to vector<16xf32>
      %add3A_250 = arith.addf %scan3A_133, %get3A_249 : vector<16xf32>
      %swap3A_251 = arith.index_cast %scan3A_121 : i32 to index
      %swap3A_252 = arith.constant 176 : index
      %swap3A_253 = tpu.vector_load %arg7[%swap3A_251, %swap3A_252] {strides = array<i32>} : memref<64x256xf32, #tpu.memory_space<vmem>>, vector<1x16xf32>,
      %swap3A_254 = vector.shape_cast %swap3A_253 : vector<1x16xf32> to vector<16xf32>
      %swap3A_255 = vector.shape_cast %add3A_250 : vector<16xf32> to vector<1x16xf32>
      tpu.vector_store %arg7[%swap3A_251, %swap3A_252], %swap3A_255 {strides = array<i32>} : memref<64x256xf32, #tpu.memory_space<vmem>>, vector<1x16xf32>,
      %get3A_256 = arith.index_cast %scan3A_121 : i32 to index
      %get3A_257 = arith.constant 192 : index
      %get3A_258 = tpu.vector_load %arg4[%get3A_256, %get3A_257] {strides = array<i32>} : memref<64x256xf32, #tpu.memory_space<vmem>>, vector<1x16xf32>,
      %get3A_259 = vector.shape_cast %get3A_258 : vector<1x16xf32> to vector<16xf32>
      %add3A_260 = arith.addf %scan3A_134, %get3A_259 : vector<16xf32>
      %swap3A_261 = arith.index_cast %scan3A_121 : i32 to index
      %swap3A_262 = arith.constant 192 : index
      %swap3A_263 = tpu.vector_load %arg7[%swap3A_261, %swap3A_262] {strides = array<i32>} : memref<64x256xf32, #tpu.memory_space<vmem>>, vector<1x16xf32>,
      %swap3A_264 = vector.shape_cast %swap3A_263 : vector<1x16xf32> to vector<16xf32>
      %swap3A_265 = vector.shape_cast %add3A_260 : vector<16xf32> to vector<1x16xf32>
      tpu.vector_store %arg7[%swap3A_261, %swap3A_262], %swap3A_265 {strides = array<i32>} : memref<64x256xf32, #tpu.memory_space<vmem>>, vector<1x16xf32>,
      %get3A_266 = arith.index_cast %scan3A_121 : i32 to index
      %get3A_267 = arith.constant 208 : index
      %get3A_268 = tpu.vector_load %arg4[%get3A_266, %get3A_267] {strides = array<i32>} : memref<64x256xf32, #tpu.memory_space<vmem>>, vector<1x16xf32>,
      %get3A_269 = vector.shape_cast %get3A_268 : vector<1x16xf32> to vector<16xf32>
      %add3A_270 = arith.addf %scan3A_135, %get3A_269 : vector<16xf32>
      %swap3A_271 = arith.index_cast %scan3A_121 : i32 to index
      %swap3A_272 = arith.constant 208 : index
      %swap3A_273 = tpu.vector_load %arg7[%swap3A_271, %swap3A_272] {strides = array<i32>} : memref<64x256xf32, #tpu.memory_space<vmem>>, vector<1x16xf32>,
      %swap3A_274 = vector.shape_cast %swap3A_273 : vector<1x16xf32> to vector<16xf32>
      %swap3A_275 = vector.shape_cast %add3A_270 : vector<16xf32> to vector<1x16xf32>
      tpu.vector_store %arg7[%swap3A_271, %swap3A_272], %swap3A_275 {strides = array<i32>} : memref<64x256xf32, #tpu.memory_space<vmem>>, vector<1x16xf32>,
      %get3A_276 = arith.index_cast %scan3A_121 : i32 to index
      %get3A_277 = arith.constant 224 : index
      %get3A_278 = tpu.vector_load %arg4[%get3A_276, %get3A_277] {strides = array<i32>} : memref<64x256xf32, #tpu.memory_space<vmem>>, vector<1x16xf32>,
      %get3A_279 = vector.shape_cast %get3A_278 : vector<1x16xf32> to vector<16xf32>
      %add3A_280 = arith.addf %scan3A_136, %get3A_279 : vector<16xf32>
      %swap3A_281 = arith.index_cast %scan3A_121 : i32 to index
      %swap3A_282 = arith.constant 224 : index
      %swap3A_283 = tpu.vector_load %arg7[%swap3A_281, %swap3A_282] {strides = array<i32>} : memref<64x256xf32, #tpu.memory_space<vmem>>, vector<1x16xf32>,
      %swap3A_284 = vector.shape_cast %swap3A_283 : vector<1x16xf32> to vector<16xf32>
      %swap3A_285 = vector.shape_cast %add3A_280 : vector<16xf32> to vector<1x16xf32>
      tpu.vector_store %arg7[%swap3A_281, %swap3A_282], %swap3A_285 {strides = array<i32>} : memref<64x256xf32, #tpu.memory_space<vmem>>, vector<1x16xf32>,
      %get3A_286 = arith.index_cast %scan3A_121 : i32 to index
      %get3A_287 = arith.constant 240 : index
      %get3A_288 = tpu.vector_load %arg4[%get3A_286, %get3A_287] {strides = array<i32>} : memref<64x256xf32, #tpu.memory_space<vmem>>, vector<1x16xf32>,
      %get3A_289 = vector.shape_cast %get3A_288 : vector<1x16xf32> to vector<16xf32>
      %add3A_290 = arith.addf %scan3A_137, %get3A_289 : vector<16xf32>
      %swap3A_291 = arith.index_cast %scan3A_121 : i32 to index
      %swap3A_292 = arith.constant 240 : index
      %swap3A_293 = tpu.vector_load %arg7[%swap3A_291, %swap3A_292] {strides = array<i32>} : memref<64x256xf32, #tpu.memory_space<vmem>>, vector<1x16xf32>,
      %swap3A_294 = vector.shape_cast %swap3A_293 : vector<1x16xf32> to vector<16xf32>
      %swap3A_295 = vector.shape_cast %add3A_290 : vector<16xf32> to vector<1x16xf32>
      tpu.vector_store %arg7[%swap3A_291, %swap3A_292], %swap3A_295 {strides = array<i32>} : memref<64x256xf32, #tpu.memory_space<vmem>>, vector<1x16xf32>,
      scf.yield %add3A_141, %add3A_150, %add3A_160, %add3A_170, %add3A_180, %add3A_190, %add3A_200, %add3A_210, %add3A_220, %add3A_230, %add3A_240, %add3A_250, %add3A_260, %add3A_270, %add3A_280, %add3A_290 : vector<16xf32>, vector<16xf32>, vector<16xf32>, vector<16xf32>, vector<16xf32>, vector<16xf32>, vector<16xf32>, vector<16xf32>, vector<16xf32>, vector<16xf32>, vector<16xf32>, vector<16xf32>, vector<16xf32>, vector<16xf32>, vector<16xf32>, vector<16xf32>
    }
    %scan3A_96 = arith.constant 64 : i32
    %multiple_of3A_97 = arith.constant 4032 : i32
    %multiple_of3A_98 = tpu.assume_multiple %multiple_of3A_97, 64 : i32
    %dma_start3A_99 = tpu.memref_slice %arg3[%select_n3A, %multiple_of3A_98, %multiple_of3A] : memref<4x4096x2048xf32, #tpu.memory_space<hbm>> -> memref<1x64x256xf32, #tpu.memory_space<hbm>>
    %dma_start3A_100 = tpu.memref_squeeze %dma_start3A_99 : memref<1x64x256xf32, #tpu.memory_space<hbm>> -> memref<64x256xf32, #tpu.memory_space<hbm>>
    %dma_start3A_101 = tpu.memref_slice %arg3[%select_n3A, %multiple_of3A_98, %multiple_of3A] : memref<4x4096x2048xf32, #tpu.memory_space<hbm>> -> memref<1x64x256xf32, #tpu.memory_space<hbm>>
    %dma_start3A_102 = tpu.memref_squeeze %dma_start3A_101 : memref<1x64x256xf32, #tpu.memory_space<hbm>> -> memref<64x256xf32, #tpu.memory_space<hbm>>
    tpu.enqueue_dma source(%arg7 : memref<64x256xf32, #tpu.memory_space<vmem>>) target(%dma_start3A_102 : memref<64x256xf32, #tpu.memory_space<hbm>>) target_semaphore(%arg13 : memref<!tpu.dma_semaphore, #tpu.memory_space<semaphore_mem>>)
    %multiple_of3A_103 = arith.constant 3904 : i32
    %multiple_of3A_104 = tpu.assume_multiple %multiple_of3A_103, 64 : i32
    %dma_wait3A_105 = tpu.memref_slice %arg3[%select_n3A, %multiple_of3A_104, %multiple_of3A] : memref<4x4096x2048xf32, #tpu.memory_space<hbm>> -> memref<1x64x256xf32, #tpu.memory_space<hbm>>
    %dma_wait3A_106 = tpu.memref_squeeze %dma_wait3A_105 : memref<1x64x256xf32, #tpu.memory_space<hbm>> -> memref<64x256xf32, #tpu.memory_space<hbm>>
    %dma_wait3A_107 = tpu.memref_slice %arg3[%select_n3A, %multiple_of3A_104, %multiple_of3A] : memref<4x4096x2048xf32, #tpu.memory_space<hbm>> -> memref<1x64x256xf32, #tpu.memory_space<hbm>>
    %dma_wait3A_108 = tpu.memref_squeeze %dma_wait3A_107 : memref<1x64x256xf32, #tpu.memory_space<hbm>> -> memref<64x256xf32, #tpu.memory_space<hbm>>
    tpu.wait_dma2 semaphore(%arg14 : memref<!tpu.dma_semaphore, #tpu.memory_space<semaphore_mem>>) src(%arg8 : memref<64x256xf32, #tpu.memory_space<vmem>>) dst(%dma_wait3A_108 : memref<64x256xf32, #tpu.memory_space<hbm>>)
    %multiple_of3A_109 = arith.constant 3968 : i32
    %multiple_of3A_110 = tpu.assume_multiple %multiple_of3A_109, 64 : i32
    %dma_wait3A_111 = tpu.memref_slice %arg3[%select_n3A, %multiple_of3A_110, %multiple_of3A] : memref<4x4096x2048xf32, #tpu.memory_space<hbm>> -> memref<1x64x256xf32, #tpu.memory_space<hbm>>
    %dma_wait3A_112 = tpu.memref_squeeze %dma_wait3A_111 : memref<1x64x256xf32, #tpu.memory_space<hbm>> -> memref<64x256xf32, #tpu.memory_space<hbm>>
    %dma_wait3A_113 = tpu.memref_slice %arg3[%select_n3A, %multiple_of3A_110, %multiple_of3A] : memref<4x4096x2048xf32, #tpu.memory_space<hbm>> -> memref<1x64x256xf32, #tpu.memory_space<hbm>>
    %dma_wait3A_114 = tpu.memref_squeeze %dma_wait3A_113 : memref<1x64x256xf32, #tpu.memory_space<hbm>> -> memref<64x256xf32, #tpu.memory_space<hbm>>
    tpu.wait_dma2 semaphore(%arg15 : memref<!tpu.dma_semaphore, #tpu.memory_space<semaphore_mem>>) src(%arg9 : memref<64x256xf32, #tpu.memory_space<vmem>>) dst(%dma_wait3A_114 : memref<64x256xf32, #tpu.memory_space<hbm>>)
    %multiple_of3A_115 = arith.constant 4032 : i32
    %multiple_of3A_116 = tpu.assume_multiple %multiple_of3A_115, 64 : i32
    %dma_wait3A_117 = tpu.memref_slice %arg3[%select_n3A, %multiple_of3A_116, %multiple_of3A] : memref<4x4096x2048xf32, #tpu.memory_space<hbm>> -> memref<1x64x256xf32, #tpu.memory_space<hbm>>
    %dma_wait3A_118 = tpu.memref_squeeze %dma_wait3A_117 : memref<1x64x256xf32, #tpu.memory_space<hbm>> -> memref<64x256xf32, #tpu.memory_space<hbm>>
    %dma_wait3A_119 = tpu.memref_slice %arg3[%select_n3A, %multiple_of3A_116, %multiple_of3A] : memref<4x4096x2048xf32, #tpu.memory_space<hbm>> -> memref<1x64x256xf32, #tpu.memory_space<hbm>>
    %dma_wait3A_120 = tpu.memref_squeeze %dma_wait3A_119 : memref<1x64x256xf32, #tpu.memory_space<hbm>> -> memref<64x256xf32, #tpu.memory_space<hbm>>
    tpu.wait_dma2 semaphore(%arg13 : memref<!tpu.dma_semaphore, #tpu.memory_space<semaphore_mem>>) src(%arg7 : memref<64x256xf32, #tpu.memory_space<vmem>>) dst(%dma_wait3A_120 : memref<64x256xf32, #tpu.memory_space<hbm>>)
    return
  }
}

</mosaic_0001>

<sc_bundles>
// kernel: kernel.3.cloned.1.call-start
scs
__scs_entry_jumppad:
0x0: {  	(pc) =	sbr.rel $0x88, $3  }
0x1: {  	(tag) =	ssettag $0x0;
	lr =	simm.s32 $0x1  }
0x2: {  	[smem:$0x3FA0] =	sst lr;
	_ =	strace $0xD0000000  }
0x3: {  	_ = 	snop  }
0x4: {  	_ = 	snop  }
0x5: {  	_ = 	snop  }
0x6: {  	_ = 	snop  }
0x7: {  	_ = 	snop  }
__scs_overlays_trampoline_lowered:
0x8: {  	[smem:$0x3FAF] =	sst s0  }
0x9: {  	[smem:$0x3FB0] =	sst s1  }
0xa: {  	[smem:$0x3FB1] =	sst s2  }
0xb: {  	[smem:$0x3FB2] =	sst s3  }
0xc: {  	[smem:$0x3FB3] =	sst s4  }
0xd: {  	[smem:$0x3FB4] =	sst s5  }
0xe: {  	[smem:$0x3FB5] =	sst s6  }
0xf: {  	[smem:$0x3FB6] =	sst s7  }
0x10: {  	[smem:$0x3FB7] =	sst s8  }
0x11: {  	[smem:$0x3FB8] =	sst s9;
	s0 =	simm.s32 @!p0 $0x0  }
0x12: {  	s1 =	sld [smem:$0x3F9E];
	s0 =	simm.s32 @p0 $0x1  }
0x13: {  	[smem:$0x3FB9] =	sst s0;
	s0 =	simm.s32 @!p1 $0x0  }
0x14: {  	s2 =	sld [smem:$0x3F9D];
	s0 =	simm.s32 @p1 $0x1  }
0x15: {  	[smem:$0x3FBA] =	sst s0;
	s0 =	simm.s32 @!p2 $0x0  }
0x16: {  	s3 =	sld [smem:$0x3FDB];
	s0 =	simm.s32 @p2 $0x1  }
0x17: {  	s4 =	simm.s32 $0x1BF5;
	[smem:$0x3FBC] =	sst s0  }
0x18: {  	s0 =	sld [smem:$0x3F9F];
	_ =	swait.ge [sflag:s4], $0x0  }
0x19: {  	s7 =	sld [smem:$0x3FA0]  }
0x1a: {  	s8 =	sadd.s32 $0xFFFFE003, lr  }
0x1b: {  	s9 =	sadd.s32 $0xFFFFFEF7, lr;
	s5 =	simm.s32 $0xFFFFFFFF;
	p2 =	slt.u32 s8, $0xFFFFF086  }
0x1c: {  	p1 =	slt.u32 s9, $0xF7A;
	s5 =	simm.s32 @!p2 $0x0  }
0x1d: {  	s5 =	simm.s32 @p1 $0x1;
	p0 =	seq.s32 s7, s2  }
0x1e: {  	s7 =	smul.u32 @!p0 $0xF7A, s2;
	p2 =	seq.s32 @!p0 s5, $0x0  }
0x1f: {  	s9 =	smul.u32 $0xF7A, s1;
	s8 =	simm.s32 @!p0 $0x1BF5;
	p2 =	por !p2, p0  }
0x20: {  	[sflag:s8] =	ssyncset.s32 @!p0 $0xFFFFF086;
	s6 =	sadd.s32 @!p0 s3, s7;
	s7 =	simm.s32 @!p0 $0x108  }
0x21: {  	s3 =	sadd.s32 s3, s9;
	s6 =	sadd.s32 @!p0 $0x88, s6;
	s7 =	simm.s32 @p2 $0x1082  }
0x22: {  	[simem:s7], [sflag:s8] =	dma.local @!p0 [hbm:s6], $0xF7A  }
0x23: {  	s9 =	sor.u32 $0xD0000000, s2;
	s6 =	simm.s32 $0x108;
	_ =	swait.ge @!p0 [sflag:s8], $0x0  }
0x24: {  	s3 =	sadd.s32 $0x88, s3;
	s6 =	simm.s32 @!p1 $0x1082;
	[sflag:s4] =	ssyncset.s32 $0xFFFFF086  }
0x25: {  	[simem:s6], [sflag:s4] =	dma.local [hbm:s3], $0xF7A  }
0x26: {  	[smem:$0x3FA0] =	sst s1;
	(tag) =	ssettag s2;
	_ =	strace s9  }
0x27: {  	s1 =	sld [smem:$0x3FB0]  }
0x28: {  	s2 =	sld [smem:$0x3FB1]  }
0x29: {  	s4 =	sld [smem:$0x3FB3]  }
0x2a: {  	p0 =	seq.s32 s5, $0x0;
	s5 =	sld [smem:$0x3FB4]  }
0x2b: {  	s6 =	sld [smem:$0x3FB5]  }
0x2c: {  	s7 =	sld [smem:$0x3FB6]  }
0x2d: {  	s3 =	simm.s32 $0x108;
	s8 =	sld [smem:$0x3FB7]  }
0x2e: {  	s3 =	simm.s32 @!p0 $0x1082;
	s9 =	sld [smem:$0x3FB8]  }
0x2f: {  	lr =	sadd.s32 s0, s3;
	s0 =	sld [smem:$0x3FAF]  }
0x30: {  	s3 =	sld [smem:$0x3FB2]  }
0x31: {  	[smem:$0x3FBB] =	sst s10  }
0x32: {  	s10 =	sld [smem:$0x3FB9];
	_ =	sdelay $0x3  }
0x33: {  	p0 =	seq.s32 s10, $0x1;
	s10 =	sld [smem:$0x3FBB];
	_ =	sdelay $0x3  }
0x34: {  	[smem:$0x3FBB] =	sst s10  }
0x35: {  	s10 =	sld [smem:$0x3FBA];
	_ =	sdelay $0x3  }
0x36: {  	p1 =	seq.s32 s10, $0x1;
	s10 =	sld [smem:$0x3FBB];
	_ =	sdelay $0x3  }
0x37: {  	[smem:$0x3FBB] =	sst s10  }
0x38: {  	s10 =	sld [smem:$0x3FBC]  }
0x39: {  	_ = 	snop;
	(pc) =	sbr.ind lr, $3  }
0x3a: {  	_ = 	snop  }
0x3b: {  	_ = 	snop  }
0x3c: {  	p2 =	seq.s32 s10, $0x1;
	s10 =	sld [smem:$0x3FBB]  }
0x3d: {  	_ =	shalt  }
0x3e: {  	_ =	shalt  }
0x3f: {  	_ =	shalt  }
0x40: {  	_ =	shalt  }
0x41: {  	_ =	shalt  }
0x42: {  	_ =	shalt  }
0x43: {  	_ =	shalt  }
0x44: {  	_ =	shalt  }
0x45: {  	_ =	shalt  }
0x46: {  	_ =	shalt  }
0x47: {  	_ =	shalt  }
0x48: {  	_ =	shalt  }
0x49: {  	_ =	shalt  }
0x4a: {  	_ =	shalt  }
0x4b: {  	_ =	shalt  }
0x4c: {  	_ =	shalt  }
0x4d: {  	_ =	shalt  }
0x4e: {  	_ =	shalt  }
0x4f: {  	_ =	shalt  }
0x50: {  	_ =	shalt  }
0x51: {  	_ =	shalt  }
0x52: {  	_ =	shalt  }
0x53: {  	_ =	shalt  }
0x54: {  	_ =	shalt  }
0x55: {  	_ =	shalt  }
0x56: {  	_ =	shalt  }
0x57: {  	_ =	shalt  }
0x58: {  	_ =	shalt  }
0x59: {  	_ =	shalt  }
0x5a: {  	_ =	shalt  }
0x5b: {  	_ =	shalt  }
0x5c: {  	_ =	shalt  }
0x5d: {  	_ =	shalt  }
0x5e: {  	_ =	shalt  }
0x5f: {  	_ =	shalt  }
0x60: {  	_ =	shalt  }
0x61: {  	_ =	shalt  }
0x62: {  	_ =	shalt  }
0x63: {  	_ =	shalt  }
0x64: {  	_ =	shalt  }
0x65: {  	_ =	shalt  }
0x66: {  	_ =	shalt  }
0x67: {  	_ =	shalt  }
0x68: {  	_ =	shalt  }
0x69: {  	_ =	shalt  }
0x6a: {  	_ =	shalt  }
0x6b: {  	_ =	shalt  }
0x6c: {  	_ =	shalt  }
0x6d: {  	_ =	shalt  }
0x6e: {  	_ =	shalt  }
0x6f: {  	_ =	shalt  }
0x70: {  	_ =	shalt  }
0x71: {  	_ =	shalt  }
0x72: {  	_ =	shalt  }
0x73: {  	_ =	shalt  }
0x74: {  	_ =	shalt  }
0x75: {  	_ =	shalt  }
0x76: {  	_ =	shalt  }
0x77: {  	_ =	shalt  }
0x78: {  	_ =	shalt  }
0x79: {  	_ =	shalt  }
0x7a: {  	_ =	shalt  }
0x7b: {  	_ =	shalt  }
0x7c: {  	_ =	shalt  }
0x7d: {  	_ =	shalt  }
0x7e: {  	_ =	shalt  }
0x7f: {  	_ =	shalt  }
0x80: {  	_ =	shalt  }
0x81: {  	_ =	shalt  }
0x82: {  	_ =	shalt  }
0x83: {  	_ =	shalt  }
0x84: {  	_ =	shalt  }
0x85: {  	_ =	shalt  }
0x86: {  	_ =	shalt  }
0x87: {  	_ =	shalt  }
.Lfunc_end0:
.L_simem_size_0:
called_computation_lowered:
.L_overlay_start_0:
0x88: {  	s2 =	sld [smem:$0x3FD9]  }
0x89: {  	s3 =	sld [smem:$0x3FFE];
	_ =	sdelay $0x1  }
0x8a: {  	s1 =	srdreg.scid  }
0x8b: {  	s0 =	sand.u32 $0x1, s1  }
0x8c: {  	s18 =	sshll.u32 s0, $0xA;
	s2 =	sadd.s32 s3, s2  }
0x8d: {  	s2 =	sadd.s32 s2, s18  }
0x8e: {  	[smem:$0x3FC7] =	sst s2  }
0x8f: {  	_ = 	snop  }
0x90: {  	s2 =	sld [smem:$0x3FC9]  }
0x91: {  	s19 =	sld [smem:$0x3FD0];
	(tm) =	ssettm $0x1  }
0x92: {  	s4 =	sld [smem:$0x3FFB];
	_ =	sdelay $0x3  }
0x93: {  	_ =	strace s4  }
0x94: {  	s4 =	sld [smem:$0x3FFC];
	_ =	sdelay $0x3  }
0x95: {  	_ =	strace s4  }
0x96: {  	s4 =	sld [smem:$0x3FFD];
	_ =	sdelay $0x3  }
0x97: {  	_ =	strace s4  }
0x98: {  	_ =	strace $0x8FFFFFFF  }
0x99: {  	s20 =	sld [smem:$0x3FDB];
	_ =	sdelay $0x1  }
0x9a: {  	s5 =	simm.s32 $_scs_section_size  }
0x9b: {  	s6 =	simm.s32 $_size__tile_overlayer_lowered;
	s7 =	simm.s32 $_tile_overlayer_lowered  }
0x9c: {  	s23 =	simm.s32 $0x1BFF;
	s22 =	sshll.u32 s7, $0x1;
	s4 =	sadd.s32 s5, s20  }
0x9d: {  	s8 =	simm.s32 $0x0;
	s21 =	sshll.u32 s6, $0x1;
	s6 =	sadd.s32 s22, s4  }
0x9e: {  	[timem:s8], [sflag:s23] =	dma.local [hbm:s6], s21  }
0x9f: {  	_ =	swait.ge [sflag:s23], s21  }
0xa0: {  	s5 =	ssub.s32 $0x0, s21;
	[sflag:s23] =	ssyncset.done $0x0  }
0xa1: {  	[sflag:s23] =	ssyncadd.s32 s5;
	_ =	sdelay $0x1  }
0xa2: {  	s24 =	simm.s32 $0x1B8B  }
0xa3: {  	_ =	swait.ge [sflag:s24], $0x1  }
0xa4: {  	[sflag:s24] =	ssyncset.done $0x0  }
0xa5: {  	s25 =	simm.s32 $0x1B8E;
	[sflag:s24] =	ssyncadd.s32 $0xFFFFFFFF  }
0xa6: {  	s26 =	simm.s32 $execute0_lowered;
	[smem:$0x3FD2] =	sst s25  }
0xa7: {  	s5 =	sshll.u32 s26, $0x1;
	_ =	strace $0x80000046;
	[dreg:$0x1] =	wrdreg $0xFFFFFFFF  }
0xa8: {  	s28 =	simm.s32 $_size_execute0_lowered;
	s4 =	sadd.s32 s4, s5;
	[dreg:$0x0] =	wrdreg $0x0  }
0xa9: {  	s5 =	sshll.u32 s28, $0x1;
	[dreg:$0x2] =	wrdreg s4  }
0xaa: {  	[dreg:$0x3] =	wrdreg s5  }
0xab: {  	[dreg:$0x4] =	wrdreg $0xC0  }
0xac: {  	_ =	task [dreg:s8], $0x5FFFF  }
0xad: {  	[dreg:$0x1] =	wrdreg $0xFFFFFFFF  }
0xae: {  	[dreg:$0x0] =	wrdreg $0x60  }
0xaf: {  	[dreg:$0x2] =	wrdreg s2  }
0xb0: {  	[dreg:$0x3] =	wrdreg s19  }
0xb1: {  	[dreg:$0x4] =	wrdreg $0x9  }
0xb2: {  	_ =	task.clear_ibuf [dreg:s8], $0x5FFFF;
	_ =	strace $0x90000046  }
0xb3: {  	s29 =	simm.s32 $0x9;
	_ =	strace $0x80000048  }
0xb4: {  	_ =	swait.ge [sflag:s29], $0x1  }
0xb5: {  	[sflag:s29] =	ssyncadd.s32 $0xFFFFFFFF  }
0xb6: {  	_ =	strace $0x90000048  }
0xb7: {  	_ =	sfence  }
0xb8: {  	s30 =	sld [smem:$0x0];
	_ =	sdelay $0x2  }
0xb9: {  	s31 =	sshll.u32 s1, $0xD;
	s1 =	sshrl.u32 s1, $0x2  }
0xba: {  	s3 =	sand.u32 $0x4000, s31;
	s1 =	sadd.s32 s1, s30  }
0xbb: {  	s0 =	sor.u32 s3, s0;
	s1 =	sshll.u32 s1, $0x11  }
0xbc: {  	s0 =	sor.u32 s1, s0  }
0xbd: {  	s0 =	sadd.s32 $0x8F2B, s0  }
0xbe: {  	[sflag:s0] =	ssyncadd.remote.s32 $0x1  }
0xbf: {  	_ =	sfence.sel $0xFFFF  }
0xc0: {  	[dreg:$0x0] =	wrdreg $0xFFFFFFFF;
	(pc) =	sbr.abs _section_cstart, $3  }
0xc1: {  	[dreg:$0x1] =	wrdreg $0xFFFFFFFF  }
0xc2: {  	_ =	task.clear_ibuf [dreg:s8], $0x2FFFF;
	_ =	strace $0x9FFFFFFF  }
0xc3: {  	(tm) =	ssettm $0x7FFFFFFF  }
tec
execute0_lowered:
.L_overlay_start_1:
0x0: {  	(tag) =	ssettag $0x1  }
0x1: {  	s4 =	stileid.u32;
	s2 =	rddreg [dreg:$0x0]  }
0x2: {  	s0 =	srdreg.scid;
	s3 =	rddreg [dreg:$0x1]  }
0x3: {  	s14 =	simm.s32 $0x800;
	s15 =	simm.s32 $0x4000;
	s16 =	simm.s32 $0x8000  }
0x4: {  	s17 =	simm.s32 $0x1;
	s18 =	simm.s32 $0xC000;
	s19 =	simm.s32 $0x2  }
0x5: {  	s20 =	simm.s32 $0x10000;
	s21 =	simm.s32 $0x3;
	s22 =	simm.s32 $0x6  }
0x6: {  	s23 =	simm.s32 $0x14000;
	s24 =	simm.s32 $0x4;
	s1 =	sshll.u32 s4, $0x1  }
0x7: {  	s25 =	simm.s32 $0x5;
	s0 =	sand.u32 $0x1, s0;
	s1 =	sand.u32 $0x6, s1  }
0x8: {  	s26 =	simm.s32 $0x0;
	s4 =	sshll.u32 s4, $0x15;
	s1 =	sor.u32 s0, s1  }
0x9: {  	s5 =	sand.u32 $0x1800000, s4;
	s4 =	simm.s32 $0x0;
	s1 =	sshll.u32 s1, $0xB  }
0xa: {  	s0 =	ssub.s32 $0x2, s0;
	[smem:$0x7FF] =	sst s4;
	s5 =	sor.u32 s5, s1  }
0xb: {  	s29 =	sshrl.u32 s0, $0x1;
	_ =	strace $0x80000047;
	s7 =	sshrl.u32 s5, $0x3  }
0xc: {  	s0 =	ssub.s32 s0, s29;
	s8 =	sor.u32 $0x40000, s5;
	s6 =	sadd.s32 s2, s7  }
0xd: {  	s9 =	sor.u32 $0x60000, s5;
	s31 =	sadd.s32 s7, s3;
	s30 =	sadd.s32 $0x4000, s6  }
0xe: {  	s10 =	sor.u32 $0x20000, s5;
	s1 =	sadd.s32 $0xFC000, s31;
	[dreg:$0x3] =	wrdreg s30  }
0xf: {  	s11 =	sor.u32 $0x80000, s5;
	s13 =	smax.u32 s0, $0x1;
	[dreg:$0x4] =	wrdreg s1  }
.LBB2_1:
0x10: {  	v0 =	vimm.f32 $0.0e+00  }
0x11: {  	v18 =	vimm.f32 $0.0e+00;
	v1 =	vimm.f32 $0.0e+00;
	v2 =	vimm.f32 $0.0e+00  }
0x12: {  	v3 =	vimm.f32 $0.0e+00;
	v4 =	vimm.f32 $0.0e+00;
	v5 =	vimm.f32 $0.0e+00  }
0x13: {  	[tilespmem:s4], [sflag:$0x1] =	stream.strided.gather [hbm4b:s6+s14], $0x4000, s15, s14, $0x38;
	v6 =	vimm.f32 $0.0e+00;
	v7 =	vimm.f32 $0.0e+00;
	v16 =	vimm.f32 $0.0e+00;
	[tilespmem:$0x18000] =	vst v63  }
0x14: {  	s0 =	rddreg [dreg:$0x3];
	v13 =	vimm.f32 $0.0e+00;
	v17 =	vimm.f32 $0.0e+00;
	v19 =	vimm.f32 $0.0e+00;
	s28 =	simm.s32 $0x0  }
0x15: {  	v20 =	vimm.f32 $0.0e+00;
	v21 =	vimm.f32 $0.0e+00;
	v22 =	vimm.f32 $0.0e+00;
	[tilespmem:s15], [sflag:$0x2] =	stream.strided.gather [hbm4b:s0+s14], $0x4000, s15, s14, $0x38;
	[tilespmem:$0x18000] =	vst v63  }
.LBB2_2:
0x16: {  	s30 =	smul.u32 $0x60000, s28;
	_ =	sdelay $0x1  }
0x17: {  	s0 =	sadd.s32 s30, s8  }
0x18: {  	s29 =	sshrl.u32 s0, $0x3  }
0x19: {  	s0 =	sadd.s32 s2, s29  }
0x1a: {  	[tilespmem:s16], [sflag:$0x3] =	stream.strided.gather [hbm4b:s0+s14], $0x4000, s15, s14, $0x38;
	[tilespmem:$0x18000] =	vst v63  }
0x1b: {  	_ =	swait.ge [sflag:s17], $0x4000  }
0x1c: {  	p0 =	seq.s32 s28, $0x0;
	[sflag:s17] =	ssyncset.done $0x0  }
0x1d: {  	s0 =	simm.s32 @!p0 $0x4;
	[sflag:s17] =	ssyncadd.s32 $0xFFFFC000  }
0x1e: {  	s1 =	simm.s32 $0x0;
	_ =	swait.ge @!p0 [sflag:s0], $0x4000  }
0x1f: {  	s7 =	sand.u32 $0x3800, s1;
	s1 =	sand.u32 $0x380, s1;
	[sflag:s0] =	ssyncset.done @!p0 $0x0  }
0x20: {  	s31 =	sor.u32 s1, s7;
	[sflag:s0] =	ssyncadd.s32 @!p0 $0xFFFFC000  }
0x21: {  	v8 =	vld [tilespmem:s31+$0x470]  }
0x22: {  	v9 =	vld [tilespmem:s31+$0x0]  }
0x23: {  	v10 =	vld [tilespmem:s31+$0x10]  }
0x24: {  	v11 =	vld [tilespmem:s31+$0x20]  }
0x25: {  	v12 =	vld [tilespmem:s31+$0x30]  }
0x26: {  	v14 =	vld [tilespmem:s31+$0x40];
	v8 =	vadd.f32 v8, v18  }
0x27: {  	v18 =	vld [tilespmem:s31+$0x50];
	v9 =	vadd.f32 v9, v22  }
0x28: {  	v22 =	vld [tilespmem:s31+$0x60];
	v15 =	vadd.f32 v10, v21;
	[tilespmem:s31+$0xC470] =	vst v8  }
0x29: {  	v21 =	vld [tilespmem:s31+$0x70];
	v10 =	vadd.f32 v11, v20;
	[tilespmem:s31+$0xC000] =	vst v9  }
0x2a: {  	v20 =	vld [tilespmem:s31+$0x400];
	v11 =	vadd.f32 v12, v19;
	[tilespmem:s31+$0xC010] =	vst v15  }
0x2b: {  	v19 =	vld [tilespmem:s31+$0x410];
	v12 =	vadd.f32 v14, v17;
	[tilespmem:s31+$0xC020] =	vst v10  }
0x2c: {  	v17 =	vld [tilespmem:s31+$0x420];
	[tilespmem:s31+$0xC030] =	vst v11;
	v13 =	vadd.f32 v18, v13  }
0x2d: {  	[tilespmem:s31+$0xC040] =	vst v12;
	v18 =	vld [tilespmem:s31+$0x430];
	v14 =	vadd.f32 v22, v16  }
0x2e: {  	s12 =	simm.s32 $0x100;
	s1 =	simm.s32 $0x80;
	v16 =	vld [tilespmem:s31+$0x440];
	v7 =	vadd.f32 v21, v7;
	[tilespmem:s31+$0xC050] =	vst v13  }
0x2f: {  	s7 =	sand.u32 $0x3800, s12;
	s12 =	sand.u32 $0x380, s1;
	s0 =	simm.s32 $0x200;
	v6 =	vadd.f32 v20, v6;
	v20 =	vld [tilespmem:s31+$0x450];
	[tilespmem:s31+$0xC060] =	vst v14  }
.LBB2_3:
0x30: {  	p1 =	sne.s32 s0, $0x3F00;
	s7 =	sor.u32 s12, s7;
	[tilespmem:s31+$0xC070] =	vst v7;
	v5 =	vadd.f32 v19, v5;
	v19 =	vld [tilespmem:s31+$0x460]  }
0x31: {  	v21 =	vld [tilespmem:s7+$0x470];
	[tilespmem:s31+$0xC400] =	vst v6;
	v4 =	vadd.f32 v17, v4  }
0x32: {  	v17 =	vld [tilespmem:s7+$0x0];
	[tilespmem:s31+$0xC410] =	vst v5;
	v3 =	vadd.f32 v18, v3  }
0x33: {  	v18 =	vld [tilespmem:s7+$0x10];
	[tilespmem:s31+$0xC420] =	vst v4;
	v2 =	vadd.f32 v16, v2  }
0x34: {  	v16 =	vld [tilespmem:s7+$0x20];
	[tilespmem:s31+$0xC430] =	vst v3;
	v1 =	vadd.f32 v20, v1  }
0x35: {  	v20 =	vld [tilespmem:s7+$0x30];
	[tilespmem:s31+$0xC440] =	vst v2;
	v0 =	vadd.f32 v19, v0  }
0x36: {  	v19 =	vld [tilespmem:s7+$0x40];
	v8 =	vadd.f32 v21, v8;
	[tilespmem:s31+$0xC450] =	vst v1  }
0x37: {  	v9 =	vadd.f32 v17, v9;
	v17 =	vld [tilespmem:s7+$0x50];
	[tilespmem:s31+$0xC460] =	vst v0;
	s31 =	smov.u32 s7  }
0x38: {  	v15 =	vadd.f32 v18, v15;
	v18 =	vld [tilespmem:s31+$0x60];
	[tilespmem:s31+$0xC470] =	vst v8  }
0x39: {  	[tilespmem:s31+$0xC000] =	vst v9;
	v10 =	vadd.f32 v16, v10;
	v16 =	vld [tilespmem:s31+$0x70]  }
0x3a: {  	[tilespmem:s31+$0xC010] =	vst v15;
	v11 =	vadd.f32 v20, v11;
	v20 =	vld [tilespmem:s31+$0x400]  }
.Ltmp0:
0x3b: {  	[tilespmem:s31+$0xC020] =	vst v10;
	v12 =	vadd.f32 v19, v12;
	v19 =	vld [tilespmem:s31+$0x410];
	(pc) =	sbr.rel @p1 .LBB2_3-.Ltmp0, $4  }
0x3c: {  	[tilespmem:s31+$0xC030] =	vst v11;
	v13 =	vadd.f32 v17, v13;
	v17 =	vld [tilespmem:s31+$0x420]  }
0x3d: {  	[tilespmem:s31+$0xC040] =	vst v12;
	v14 =	vadd.f32 v18, v14;
	v18 =	vld [tilespmem:s31+$0x430]  }
0x3e: {  	s1 =	sadd.s32 $0x80, s1;
	[tilespmem:s31+$0xC050] =	vst v13;
	v7 =	vadd.f32 v16, v7;
	v16 =	vld [tilespmem:s31+$0x440]  }
0x3f: {  	s12 =	sand.u32 $0x380, s1;
	s7 =	sand.u32 $0x3800, s0;
	s0 =	sadd.s32 $0x100, s0;
	[tilespmem:s31+$0xC060] =	vst v14;
	v6 =	vadd.f32 v20, v6;
	v20 =	vld [tilespmem:s31+$0x450]  }
0x40: {  	[tilespmem:s31+$0xC070] =	vst v7;
	s0 =	sor.u32 s12, s7;
	v21 =	vld [tilespmem:s31+$0x460];
	v5 =	vadd.f32 v19, v5  }
0x41: {  	v22 =	vld [tilespmem:s0+$0x470];
	[tilespmem:s31+$0xC400] =	vst v6;
	v17 =	vadd.f32 v17, v4  }
0x42: {  	v19 =	vld [tilespmem:s0+$0x0];
	[tilespmem:s31+$0xC410] =	vst v5;
	v3 =	vadd.f32 v18, v3  }
0x43: {  	v4 =	vld [tilespmem:s0+$0x10];
	[tilespmem:s31+$0xC420] =	vst v17;
	v2 =	vadd.f32 v16, v2  }
0x44: {  	v18 =	vld [tilespmem:s0+$0x20];
	[tilespmem:s31+$0xC430] =	vst v3;
	v1 =	vadd.f32 v20, v1  }
0x45: {  	v16 =	vld [tilespmem:s0+$0x30];
	[tilespmem:s31+$0xC440] =	vst v2;
	v0 =	vadd.f32 v21, v0  }
0x46: {  	v20 =	vld [tilespmem:s0+$0x40];
	[tilespmem:s31+$0xC450] =	vst v1  }
0x47: {  	v8 =	vadd.f32 v22, v8;
	v21 =	vld [tilespmem:s0+$0x50];
	[tilespmem:s31+$0xC460] =	vst v0  }
0x48: {  	v9 =	vadd.f32 v19, v9;
	v15 =	vadd.f32 v4, v15;
	v4 =	vld [tilespmem:s0+$0x60]  }
0x49: {  	[tilespmem:s0+$0xC470] =	vst v8;
	v19 =	vld [tilespmem:s0+$0x410]  }
0x4a: {  	[tilespmem:s0+$0xC000] =	vst v9;
	v10 =	vadd.f32 v18, v10;
	v18 =	vld [tilespmem:s0+$0x70]  }
0x4b: {  	[tilespmem:s0+$0xC010] =	vst v15;
	v11 =	vadd.f32 v16, v11;
	v16 =	vld [tilespmem:s0+$0x400]  }
0x4c: {  	[tilespmem:s0+$0xC020] =	vst v10;
	v12 =	vadd.f32 v20, v12  }
0x4d: {  	[tilespmem:s0+$0xC030] =	vst v11;
	v20 =	vadd.f32 v21, v13;
	v13 =	vld [tilespmem:s0+$0x420]  }
0x4e: {  	v21 =	vld [tilespmem:s0+$0x430];
	[tilespmem:s0+$0xC040] =	vst v12;
	v14 =	vadd.f32 v4, v14  }
0x4f: {  	v4 =	vadd.f32 v19, v5;
	[tilespmem:s0+$0xC050] =	vst v20;
	v22 =	vadd.f32 v18, v7;
	v7 =	vld [tilespmem:s0+$0x440]  }
0x50: {  	[tilespmem:s0+$0xC060] =	vst v14;
	v23 =	vadd.f32 v16, v6;
	v6 =	vld [tilespmem:s0+$0x450]  }
0x51: {  	v16 =	vld [tilespmem:s0+$0x460];
	[tilespmem:s0+$0xC410] =	vst v4  }
0x52: {  	[tilespmem:s0+$0xC070] =	vst v22;
	v5 =	vadd.f32 v13, v17  }
0x53: {  	[tilespmem:s0+$0xC400] =	vst v23;
	v3 =	vadd.f32 v21, v3  }
0x54: {  	[tilespmem:s0+$0xC420] =	vst v5;
	v2 =	vadd.f32 v7, v2  }
0x55: {  	s1 =	sadd.s32 s5, s30;
	[tilespmem:s0+$0xC430] =	vst v3;
	v1 =	vadd.f32 v6, v1  }
0x56: {  	s1 =	sshrl.u32 s1, $0x3;
	v0 =	vadd.f32 v16, v0;
	[tilespmem:s0+$0xC440] =	vst v2  }
0x57: {  	s12 =	sadd.s32 s3, s1;
	s1 =	sadd.s32 s30, s9;
	[tilespmem:s0+$0xC450] =	vst v1  }
0x58: {  	[tilespmem:s0+$0xC460] =	vst v0;
	s0 =	sshrl.u32 s1, $0x3  }
0x59: {  	[hbm4b:s12+s14] =	stream.strided.scatter [tilespmem:s18], [sflag:$0x4], $0x4000, s15, s14, $0x38;
	[tilespmem:$0x18000] =	vst v63  }
0x5a: {  	s0 =	sadd.s32 s2, s0  }
0x5b: {  	[tilespmem:s4], [sflag:$0x1] =	stream.strided.gather [hbm4b:s0+s14], $0x4000, s15, s14, $0x38;
	[tilespmem:$0x18000] =	vst v63  }
0x5c: {  	_ =	swait.ge [sflag:s19], $0x4000  }
0x5d: {  	[sflag:s19] =	ssyncset.done $0x0  }
0x5e: {  	s0 =	simm.s32 @!p0 $0x5;
	[sflag:s19] =	ssyncadd.s32 $0xFFFFC000  }
0x5f: {  	s7 =	simm.s32 $0x0;
	_ =	swait.ge @!p0 [sflag:s0], $0x4000  }
0x60: {  	s1 =	sand.u32 $0x380, s7;
	s12 =	sand.u32 $0x3800, s7;
	[sflag:s0] =	ssyncset.done @!p0 $0x0  }
0x61: {  	s31 =	sor.u32 s1, s12;
	[sflag:s0] =	ssyncadd.s32 @!p0 $0xFFFFC000  }
0x62: {  	v6 =	vld [tilespmem:s31+$0x4470]  }
0x63: {  	v7 =	vld [tilespmem:s31+$0x4000]  }
0x64: {  	v13 =	vld [tilespmem:s31+$0x4010]  }
0x65: {  	v16 =	vld [tilespmem:s31+$0x4020]  }
0x66: {  	v17 =	vld [tilespmem:s31+$0x4030]  }
0x67: {  	v18 =	vld [tilespmem:s31+$0x4040];
	v6 =	vadd.f32 v6, v8  }
0x68: {  	v21 =	vld [tilespmem:s31+$0x4050];
	v7 =	vadd.f32 v7, v9  }
0x69: {  	v24 =	vld [tilespmem:s31+$0x4060];
	v13 =	vadd.f32 v13, v15;
	[tilespmem:s31+$0x10470] =	vst v6  }
0x6a: {  	v15 =	vld [tilespmem:s31+$0x4070];
	v8 =	vadd.f32 v16, v10;
	[tilespmem:s31+$0x10000] =	vst v7  }
0x6b: {  	v25 =	vld [tilespmem:s31+$0x4400];
	v9 =	vadd.f32 v17, v11;
	[tilespmem:s31+$0x10010] =	vst v13  }
0x6c: {  	v19 =	vld [tilespmem:s31+$0x4410];
	v10 =	vadd.f32 v18, v12;
	[tilespmem:s31+$0x10020] =	vst v8  }
0x6d: {  	v16 =	vld [tilespmem:s31+$0x4420];
	v11 =	vadd.f32 v21, v20;
	[tilespmem:s31+$0x10030] =	vst v9  }
0x6e: {  	v17 =	vld [tilespmem:s31+$0x4430];
	v12 =	vadd.f32 v24, v14;
	[tilespmem:s31+$0x10040] =	vst v10  }
0x6f: {  	s12 =	simm.s32 $0x100;
	s1 =	simm.s32 $0x80;
	v18 =	vld [tilespmem:s31+$0x4440];
	[tilespmem:s31+$0x10050] =	vst v11;
	v14 =	vadd.f32 v15, v22  }
0x70: {  	s7 =	sand.u32 $0x3800, s12;
	s12 =	sand.u32 $0x380, s1;
	s0 =	simm.s32 $0x200;
	v20 =	vld [tilespmem:s31+$0x4450];
	[tilespmem:s31+$0x10060] =	vst v12;
	v15 =	vadd.f32 v25, v23  }
.LBB2_5:
0x71: {  	p1 =	sne.s32 s0, $0x3F00;
	s7 =	sor.u32 s12, s7;
	[tilespmem:s31+$0x10070] =	vst v14;
	v4 =	vadd.f32 v19, v4;
	v19 =	vld [tilespmem:s31+$0x4460]  }
0x72: {  	v21 =	vld [tilespmem:s7+$0x4470];
	[tilespmem:s31+$0x10400] =	vst v15;
	v5 =	vadd.f32 v16, v5  }
0x73: {  	v16 =	vld [tilespmem:s7+$0x4000];
	[tilespmem:s31+$0x10410] =	vst v4;
	v3 =	vadd.f32 v17, v3  }
0x74: {  	v17 =	vld [tilespmem:s7+$0x4010];
	[tilespmem:s31+$0x10420] =	vst v5;
	v2 =	vadd.f32 v18, v2  }
0x75: {  	v18 =	vld [tilespmem:s7+$0x4020];
	[tilespmem:s31+$0x10430] =	vst v3;
	v1 =	vadd.f32 v20, v1  }
0x76: {  	v20 =	vld [tilespmem:s7+$0x4030];
	[tilespmem:s31+$0x10440] =	vst v2;
	v0 =	vadd.f32 v19, v0  }
0x77: {  	v19 =	vld [tilespmem:s7+$0x4040];
	v6 =	vadd.f32 v21, v6;
	[tilespmem:s31+$0x10450] =	vst v1  }
0x78: {  	v7 =	vadd.f32 v16, v7;
	v16 =	vld [tilespmem:s7+$0x4050];
	[tilespmem:s31+$0x10460] =	vst v0;
	s31 =	smov.u32 s7  }
0x79: {  	v13 =	vadd.f32 v17, v13;
	v17 =	vld [tilespmem:s31+$0x4060];
	[tilespmem:s31+$0x10470] =	vst v6  }
0x7a: {  	[tilespmem:s31+$0x10000] =	vst v7;
	v8 =	vadd.f32 v18, v8;
	v18 =	vld [tilespmem:s31+$0x4070]  }
0x7b: {  	[tilespmem:s31+$0x10010] =	vst v13;
	v9 =	vadd.f32 v20, v9;
	v20 =	vld [tilespmem:s31+$0x4400]  }
.Ltmp1:
0x7c: {  	[tilespmem:s31+$0x10020] =	vst v8;
	v10 =	vadd.f32 v19, v10;
	v19 =	vld [tilespmem:s31+$0x4410];
	(pc) =	sbr.rel @p1 .LBB2_5-.Ltmp1, $4  }
0x7d: {  	[tilespmem:s31+$0x10030] =	vst v9;
	v11 =	vadd.f32 v16, v11;
	v16 =	vld [tilespmem:s31+$0x4420]  }
0x7e: {  	[tilespmem:s31+$0x10040] =	vst v10;
	v12 =	vadd.f32 v17, v12;
	v17 =	vld [tilespmem:s31+$0x4430]  }
0x7f: {  	s1 =	sadd.s32 $0x80, s1;
	[tilespmem:s31+$0x10050] =	vst v11;
	v14 =	vadd.f32 v18, v14;
	v18 =	vld [tilespmem:s31+$0x4440]  }
0x80: {  	s12 =	sand.u32 $0x380, s1;
	s7 =	sand.u32 $0x3800, s0;
	s0 =	sadd.s32 $0x100, s0;
	[tilespmem:s31+$0x10060] =	vst v12;
	v15 =	vadd.f32 v20, v15;
	v20 =	vld [tilespmem:s31+$0x4450]  }
0x81: {  	[tilespmem:s31+$0x10070] =	vst v14;
	s0 =	sor.u32 s12, s7;
	v21 =	vld [tilespmem:s31+$0x4460];
	v4 =	vadd.f32 v19, v4  }
0x82: {  	v22 =	vld [tilespmem:s0+$0x4470];
	[tilespmem:s31+$0x10400] =	vst v15;
	v5 =	vadd.f32 v16, v5  }
0x83: {  	v55 =	vld [tilespmem:s0+$0x4000];
	[tilespmem:s31+$0x10410] =	vst v4;
	v3 =	vadd.f32 v17, v3  }
0x84: {  	v16 =	vld [tilespmem:s0+$0x4010];
	[tilespmem:s31+$0x10420] =	vst v5;
	v2 =	vadd.f32 v18, v2  }
0x85: {  	v17 =	vld [tilespmem:s0+$0x4020];
	[tilespmem:s31+$0x10430] =	vst v3;
	v1 =	vadd.f32 v20, v1  }
0x86: {  	v56 =	vld [tilespmem:s0+$0x4030];
	[tilespmem:s31+$0x10440] =	vst v2;
	v0 =	vadd.f32 v21, v0  }
0x87: {  	v57 =	vld [tilespmem:s0+$0x4040];
	[tilespmem:s31+$0x10450] =	vst v1  }
0x88: {  	v6 =	vadd.f32 v22, v6;
	v58 =	vld [tilespmem:s0+$0x4050];
	[tilespmem:s31+$0x10460] =	vst v0  }
0x89: {  	v7 =	vadd.f32 v55, v7;
	v13 =	vadd.f32 v16, v13;
	v16 =	vld [tilespmem:s0+$0x4060]  }
0x8a: {  	[tilespmem:s0+$0x10470] =	vst v6;
	v59 =	vld [tilespmem:s0+$0x4400]  }
0x8b: {  	v60 =	vld [tilespmem:s0+$0x4410];
	[tilespmem:s0+$0x10000] =	vst v7;
	v8 =	vadd.f32 v17, v8  }
0x8c: {  	v61 =	vld [tilespmem:s0+$0x4420];
	[tilespmem:s0+$0x10010] =	vst v13;
	v9 =	vadd.f32 v56, v9  }
0x8d: {  	v17 =	vld [tilespmem:s0+$0x4070];
	[tilespmem:s0+$0x10020] =	vst v8;
	v10 =	vadd.f32 v57, v10  }
0x8e: {  	v62 =	vld [tilespmem:s0+$0x4450];
	[tilespmem:s0+$0x10030] =	vst v9;
	v11 =	vadd.f32 v58, v11  }
0x8f: {  	v63 =	vld [tilespmem:s0+$0x4460];
	[tilespmem:s0+$0x10040] =	vst v10;
	v12 =	vadd.f32 v16, v12  }
0x90: {  	v15 =	vadd.f32 v59, v15;
	[tilespmem:s0+$0x10050] =	vst v11  }
0x91: {  	v16 =	vld [tilespmem:s0+$0x4430];
	v4 =	vadd.f32 v60, v4;
	[tilespmem:s0+$0x10060] =	vst v12  }
0x92: {  	v5 =	vadd.f32 v61, v5;
	v14 =	vadd.f32 v17, v14;
	v17 =	vld [tilespmem:s0+$0x4440];
	[tilespmem:s0+$0x10400] =	vst v15  }
0x93: {  	v1 =	vadd.f32 v62, v1;
	[tilespmem:s0+$0x10410] =	vst v4  }
0x94: {  	v0 =	vadd.f32 v63, v0;
	[tilespmem:s0+$0x10420] =	vst v5  }
0x95: {  	p1 =	sne.s32 s28, $0x14;
	[tilespmem:s0+$0x10450] =	vst v1  }
.Ltmp2:
0x96: {  	[tilespmem:s0+$0x10460] =	vst v0;
	v3 =	vadd.f32 v16, v3;
	(pc) =	sbr.rel @p1 .LBB2_8-.Ltmp2, $4  }
0x97: {  	s1 =	sadd.s32 s30, s10;
	[tilespmem:s0+$0x10070] =	vst v14;
	v2 =	vadd.f32 v17, v2  }
0x98: {  	s1 =	sshrl.u32 s1, $0x3;
	[tilespmem:s0+$0x10430] =	vst v3  }
0x99: {  	s31 =	sadd.s32 s3, s1;
	[tilespmem:s0+$0x10440] =	vst v2  }
0x9a: {  	[hbm4b:s31+s14] =	stream.strided.scatter [tilespmem:s20], [sflag:$0x5], $0x4000, s15, s14, $0x38;
	[tilespmem:$0x18000] =	vst v63  }
.Ltmp3:
0x9b: {  	(pc) =	sbr.rel .LBB2_9-.Ltmp3, $4  }
0x9c: {  	_ = 	snop  }
0x9d: {  	_ =	swait.ge [sflag:s21], $0x4000  }
0x9e: {  	[sflag:s21] =	ssyncset.done $0x0  }
0x9f: {  	[sflag:s21] =	ssyncadd.s32 $0xFFFFC000  }
.LBB2_8:
0xa0: {  	s0 =	sadd.s32 s30, s11  }
0xa1: {  	s0 =	sshrl.u32 s0, $0x3  }
.Ltmp4:
0xa2: {  	s0 =	sadd.s32 s2, s0;
	(pc) =	sbr.rel @p0 .LBB2_10-.Ltmp4, $4  }
0xa3: {  	[tilespmem:s15], [sflag:$0x2] =	stream.strided.gather [hbm4b:s0+s14], $0x4000, s15, s14, $0x38;
	[tilespmem:$0x18000] =	vst v63  }
0xa4: {  	_ =	swait.ge [sflag:s21], $0x4000  }
0xa5: {  	[sflag:s21] =	ssyncset.done $0x0  }
0xa6: {  	[sflag:s21] =	ssyncadd.s32 $0xFFFFC000  }
.LBB2_9:
0xa7: {  	_ =	swait.ge [sflag:s22], $0x4000  }
0xa8: {  	[sflag:s22] =	ssyncset.done $0x0  }
0xa9: {  	[sflag:s22] =	ssyncadd.s32 $0xFFFFC000  }
.LBB2_10:
0xaa: {  	s0 =	simm.s32 $0x0  }
0xab: {  	s1 =	sand.u32 $0x3800, s0;
	s0 =	sand.u32 $0x380, s0  }
0xac: {  	s30 =	sor.u32 s0, s1  }
0xad: {  	v16 =	vld [tilespmem:s30+$0x8470]  }
0xae: {  	v17 =	vld [tilespmem:s30+$0x8000]  }
0xaf: {  	v18 =	vld [tilespmem:s30+$0x8010]  }
0xb0: {  	v19 =	vld [tilespmem:s30+$0x8020]  }
0xb1: {  	v20 =	vld [tilespmem:s30+$0x8030]  }
0xb2: {  	v21 =	vld [tilespmem:s30+$0x8040];
	v6 =	vadd.f32 v16, v6  }
0xb3: {  	v22 =	vld [tilespmem:s30+$0x8050];
	v7 =	vadd.f32 v17, v7  }
0xb4: {  	v23 =	vld [tilespmem:s30+$0x8060];
	v13 =	vadd.f32 v18, v13;
	[tilespmem:s30+$0x14470] =	vst v6  }
0xb5: {  	v24 =	vld [tilespmem:s30+$0x8070];
	v8 =	vadd.f32 v19, v8;
	[tilespmem:s30+$0x14000] =	vst v7  }
0xb6: {  	v25 =	vld [tilespmem:s30+$0x8400];
	v9 =	vadd.f32 v20, v9;
	[tilespmem:s30+$0x14010] =	vst v13  }
0xb7: {  	v19 =	vld [tilespmem:s30+$0x8410];
	v10 =	vadd.f32 v21, v10;
	[tilespmem:s30+$0x14020] =	vst v8  }
0xb8: {  	v16 =	vld [tilespmem:s30+$0x8420];
	v11 =	vadd.f32 v22, v11;
	[tilespmem:s30+$0x14030] =	vst v9  }
0xb9: {  	v17 =	vld [tilespmem:s30+$0x8430];
	v12 =	vadd.f32 v23, v12;
	[tilespmem:s30+$0x14040] =	vst v10  }
0xba: {  	s31 =	simm.s32 $0x100;
	s1 =	simm.s32 $0x80;
	v18 =	vld [tilespmem:s30+$0x8440];
	v14 =	vadd.f32 v24, v14;
	[tilespmem:s30+$0x14050] =	vst v11  }
0xbb: {  	s7 =	sand.u32 $0x3800, s31;
	s0 =	simm.s32 $0x200;
	s12 =	sand.u32 $0x380, s1;
	v15 =	vadd.f32 v25, v15;
	v20 =	vld [tilespmem:s30+$0x8450];
	[tilespmem:s30+$0x14060] =	vst v12  }
.LBB2_11:
0xbc: {  	p0 =	sne.s32 s0, $0x3F00;
	s7 =	sor.u32 s12, s7;
	[tilespmem:s30+$0x14070] =	vst v14;
	v4 =	vadd.f32 v19, v4;
	v19 =	vld [tilespmem:s30+$0x8460]  }
0xbd: {  	v21 =	vld [tilespmem:s7+$0x8470];
	[tilespmem:s30+$0x14400] =	vst v15;
	v5 =	vadd.f32 v16, v5  }
0xbe: {  	v16 =	vld [tilespmem:s7+$0x8000];
	[tilespmem:s30+$0x14410] =	vst v4;
	v3 =	vadd.f32 v17, v3  }
0xbf: {  	v17 =	vld [tilespmem:s7+$0x8010];
	[tilespmem:s30+$0x14420] =	vst v5;
	v2 =	vadd.f32 v18, v2  }
0xc0: {  	v18 =	vld [tilespmem:s7+$0x8020];
	[tilespmem:s30+$0x14430] =	vst v3;
	v1 =	vadd.f32 v20, v1  }
0xc1: {  	v20 =	vld [tilespmem:s7+$0x8030];
	[tilespmem:s30+$0x14440] =	vst v2;
	v0 =	vadd.f32 v19, v0  }
0xc2: {  	v19 =	vld [tilespmem:s7+$0x8040];
	v6 =	vadd.f32 v21, v6;
	[tilespmem:s30+$0x14450] =	vst v1  }
0xc3: {  	v7 =	vadd.f32 v16, v7;
	v16 =	vld [tilespmem:s7+$0x8050];
	[tilespmem:s30+$0x14460] =	vst v0;
	s30 =	smov.u32 s7  }
0xc4: {  	v13 =	vadd.f32 v17, v13;
	v17 =	vld [tilespmem:s30+$0x8060];
	[tilespmem:s30+$0x14470] =	vst v6  }
0xc5: {  	[tilespmem:s30+$0x14000] =	vst v7;
	v8 =	vadd.f32 v18, v8;
	v18 =	vld [tilespmem:s30+$0x8070]  }
0xc6: {  	[tilespmem:s30+$0x14010] =	vst v13;
	v9 =	vadd.f32 v20, v9;
	v20 =	vld [tilespmem:s30+$0x8400]  }
.Ltmp5:
0xc7: {  	[tilespmem:s30+$0x14020] =	vst v8;
	v10 =	vadd.f32 v19, v10;
	v19 =	vld [tilespmem:s30+$0x8410];
	(pc) =	sbr.rel @p0 .LBB2_11-.Ltmp5, $4  }
0xc8: {  	[tilespmem:s30+$0x14030] =	vst v9;
	v11 =	vadd.f32 v16, v11;
	v16 =	vld [tilespmem:s30+$0x8420]  }
0xc9: {  	[tilespmem:s30+$0x14040] =	vst v10;
	v12 =	vadd.f32 v17, v12;
	v17 =	vld [tilespmem:s30+$0x8430]  }
0xca: {  	s1 =	sadd.s32 $0x80, s1;
	[tilespmem:s30+$0x14050] =	vst v11;
	v14 =	vadd.f32 v18, v14;
	v18 =	vld [tilespmem:s30+$0x8440]  }
0xcb: {  	s12 =	sand.u32 $0x380, s1;
	s7 =	sand.u32 $0x3800, s0;
	s0 =	sadd.s32 $0x100, s0;
	[tilespmem:s30+$0x14060] =	vst v12;
	v15 =	vadd.f32 v20, v15;
	v20 =	vld [tilespmem:s30+$0x8450]  }
0xcc: {  	[tilespmem:s30+$0x14070] =	vst v14;
	s0 =	sor.u32 s12, s7;
	v21 =	vld [tilespmem:s30+$0x8460];
	v4 =	vadd.f32 v19, v4  }
0xcd: {  	v22 =	vld [tilespmem:s0+$0x8470];
	[tilespmem:s30+$0x14400] =	vst v15;
	v23 =	vadd.f32 v16, v5  }
0xce: {  	v19 =	vld [tilespmem:s0+$0x8000];
	[tilespmem:s30+$0x14410] =	vst v4;
	v3 =	vadd.f32 v17, v3  }
0xcf: {  	v5 =	vld [tilespmem:s0+$0x8010];
	[tilespmem:s30+$0x14420] =	vst v23;
	v2 =	vadd.f32 v18, v2  }
0xd0: {  	v16 =	vld [tilespmem:s0+$0x8020];
	[tilespmem:s30+$0x14430] =	vst v3;
	v1 =	vadd.f32 v20, v1  }
0xd1: {  	v17 =	vld [tilespmem:s0+$0x8030];
	[tilespmem:s30+$0x14440] =	vst v2;
	v0 =	vadd.f32 v21, v0  }
0xd2: {  	v24 =	vld [tilespmem:s0+$0x8040];
	[tilespmem:s30+$0x14450] =	vst v1  }
0xd3: {  	v18 =	vadd.f32 v22, v6;
	v6 =	vld [tilespmem:s0+$0x8050];
	[tilespmem:s30+$0x14460] =	vst v0  }
0xd4: {  	v22 =	vadd.f32 v19, v7;
	v21 =	vadd.f32 v5, v13;
	v5 =	vld [tilespmem:s0+$0x8060]  }
0xd5: {  	[tilespmem:s0+$0x14470] =	vst v18;
	v7 =	vld [tilespmem:s0+$0x8070]  }
0xd6: {  	v60 =	vld [tilespmem:s0+$0x8410];
	[tilespmem:s0+$0x14000] =	vst v22;
	v20 =	vadd.f32 v16, v8  }
0xd7: {  	v61 =	vld [tilespmem:s0+$0x8420];
	[tilespmem:s0+$0x14010] =	vst v21;
	v19 =	vadd.f32 v17, v9  }
0xd8: {  	v8 =	vld [tilespmem:s0+$0x8400];
	[tilespmem:s0+$0x14020] =	vst v20;
	v17 =	vadd.f32 v24, v10  }
0xd9: {  	v62 =	vld [tilespmem:s0+$0x8430];
	[tilespmem:s0+$0x14030] =	vst v19;
	v13 =	vadd.f32 v6, v11  }
0xda: {  	v63 =	vld [tilespmem:s0+$0x8460];
	[tilespmem:s0+$0x14040] =	vst v17;
	v16 =	vadd.f32 v5, v12  }
0xdb: {  	v7 =	vadd.f32 v7, v14;
	[tilespmem:s0+$0x14050] =	vst v13  }
0xdc: {  	v12 =	vld [tilespmem:s0+$0x8440];
	v5 =	vadd.f32 v60, v4;
	[tilespmem:s0+$0x14060] =	vst v16  }
0xdd: {  	v4 =	vadd.f32 v61, v23;
	v6 =	vadd.f32 v8, v15;
	v8 =	vld [tilespmem:s0+$0x8450];
	[tilespmem:s0+$0x14070] =	vst v7  }
0xde: {  	v3 =	vadd.f32 v62, v3;
	[tilespmem:s0+$0x14410] =	vst v5  }
0xdf: {  	s28 =	sadd.s32 $0x1, s28;
	v0 =	vadd.f32 v63, v0;
	[tilespmem:s0+$0x14420] =	vst v4  }
0xe0: {  	p0 =	sne.s32 s28, $0x15;
	[tilespmem:s0+$0x14430] =	vst v3  }
.Ltmp6:
0xe1: {  	[tilespmem:s0+$0x14460] =	vst v0;
	v2 =	vadd.f32 v12, v2;
	(pc) =	sbr.rel @p0 .LBB2_2-.Ltmp6, $4  }
0xe2: {  	[tilespmem:s0+$0x14400] =	vst v6;
	v1 =	vadd.f32 v8, v1  }
0xe3: {  	[tilespmem:s0+$0x14440] =	vst v2  }
0xe4: {  	s31 =	sadd.s32 s3, s29;
	[tilespmem:s0+$0x14450] =	vst v1  }
0xe5: {  	[hbm4b:s31+s14] =	stream.strided.scatter [tilespmem:s23], [sflag:$0x6], $0x4000, s15, s14, $0x38;
	[tilespmem:$0x18000] =	vst v63  }
0xe6: {  	_ =	swait.ge [sflag:s17], $0x4000  }
0xe7: {  	[sflag:s17] =	ssyncset.done $0x0  }
0xe8: {  	[sflag:s17] =	ssyncadd.s32 $0xFFFFC000  }
0xe9: {  	s0 =	simm.s32 $0x0;
	_ =	swait.ge [sflag:s24], $0x4000  }
0xea: {  	s1 =	sand.u32 $0x3800, s0;
	s0 =	sand.u32 $0x380, s0;
	[sflag:s24] =	ssyncset.done $0x0  }
0xeb: {  	s28 =	sor.u32 s0, s1;
	[sflag:s24] =	ssyncadd.s32 $0xFFFFC000  }
0xec: {  	v8 =	vld [tilespmem:s28+$0x470]  }
0xed: {  	v9 =	vld [tilespmem:s28+$0x0]  }
0xee: {  	v10 =	vld [tilespmem:s28+$0x10]  }
0xef: {  	v11 =	vld [tilespmem:s28+$0x20]  }
0xf0: {  	v12 =	vld [tilespmem:s28+$0x30]  }
0xf1: {  	v14 =	vld [tilespmem:s28+$0x40];
	v8 =	vadd.f32 v8, v18  }
0xf2: {  	v18 =	vld [tilespmem:s28+$0x50];
	v9 =	vadd.f32 v9, v22  }
0xf3: {  	v22 =	vld [tilespmem:s28+$0x60];
	v15 =	vadd.f32 v10, v21;
	[tilespmem:s28+$0xC470] =	vst v8  }
0xf4: {  	v21 =	vld [tilespmem:s28+$0x70];
	v10 =	vadd.f32 v11, v20;
	[tilespmem:s28+$0xC000] =	vst v9  }
0xf5: {  	v20 =	vld [tilespmem:s28+$0x400];
	v11 =	vadd.f32 v12, v19;
	[tilespmem:s28+$0xC010] =	vst v15  }
0xf6: {  	v19 =	vld [tilespmem:s28+$0x410];
	v12 =	vadd.f32 v14, v17;
	[tilespmem:s28+$0xC020] =	vst v10  }
0xf7: {  	v17 =	vld [tilespmem:s28+$0x420];
	[tilespmem:s28+$0xC030] =	vst v11;
	v13 =	vadd.f32 v18, v13  }
0xf8: {  	[tilespmem:s28+$0xC040] =	vst v12;
	v18 =	vld [tilespmem:s28+$0x430];
	v14 =	vadd.f32 v22, v16  }
0xf9: {  	s31 =	simm.s32 $0x100;
	s1 =	simm.s32 $0x80;
	v16 =	vld [tilespmem:s28+$0x440];
	v7 =	vadd.f32 v21, v7;
	[tilespmem:s28+$0xC050] =	vst v13  }
0xfa: {  	s7 =	sand.u32 $0x3800, s31;
	s0 =	simm.s32 $0x200;
	s12 =	sand.u32 $0x380, s1;
	v6 =	vadd.f32 v20, v6;
	v20 =	vld [tilespmem:s28+$0x450];
	[tilespmem:s28+$0xC060] =	vst v14  }
.LBB2_14:
0xfb: {  	p0 =	sne.s32 s0, $0x3F00;
	s7 =	sor.u32 s12, s7;
	[tilespmem:s28+$0xC070] =	vst v7;
	v5 =	vadd.f32 v19, v5;
	v19 =	vld [tilespmem:s28+$0x460]  }
0xfc: {  	v21 =	vld [tilespmem:s7+$0x470];
	[tilespmem:s28+$0xC400] =	vst v6;
	v4 =	vadd.f32 v17, v4  }
0xfd: {  	v17 =	vld [tilespmem:s7+$0x0];
	[tilespmem:s28+$0xC410] =	vst v5;
	v3 =	vadd.f32 v18, v3  }
0xfe: {  	v18 =	vld [tilespmem:s7+$0x10];
	[tilespmem:s28+$0xC420] =	vst v4;
	v2 =	vadd.f32 v16, v2  }
0xff: {  	v16 =	vld [tilespmem:s7+$0x20];
	[tilespmem:s28+$0xC430] =	vst v3;
	v1 =	vadd.f32 v20, v1  }
0x100: {  	v20 =	vld [tilespmem:s7+$0x30];
	[tilespmem:s28+$0xC440] =	vst v2;
	v0 =	vadd.f32 v19, v0  }
0x101: {  	v19 =	vld [tilespmem:s7+$0x40];
	v8 =	vadd.f32 v21, v8;
	[tilespmem:s28+$0xC450] =	vst v1  }
0x102: {  	v9 =	vadd.f32 v17, v9;
	v17 =	vld [tilespmem:s7+$0x50];
	[tilespmem:s28+$0xC460] =	vst v0;
	s28 =	smov.u32 s7  }
0x103: {  	v15 =	vadd.f32 v18, v15;
	v18 =	vld [tilespmem:s28+$0x60];
	[tilespmem:s28+$0xC470] =	vst v8  }
0x104: {  	[tilespmem:s28+$0xC000] =	vst v9;
	v10 =	vadd.f32 v16, v10;
	v16 =	vld [tilespmem:s28+$0x70]  }
0x105: {  	[tilespmem:s28+$0xC010] =	vst v15;
	v11 =	vadd.f32 v20, v11;
	v20 =	vld [tilespmem:s28+$0x400]  }
.Ltmp7:
0x106: {  	[tilespmem:s28+$0xC020] =	vst v10;
	v12 =	vadd.f32 v19, v12;
	v19 =	vld [tilespmem:s28+$0x410];
	(pc) =	sbr.rel @p0 .LBB2_14-.Ltmp7, $4  }
0x107: {  	[tilespmem:s28+$0xC030] =	vst v11;
	v13 =	vadd.f32 v17, v13;
	v17 =	vld [tilespmem:s28+$0x420]  }
0x108: {  	[tilespmem:s28+$0xC040] =	vst v12;
	v14 =	vadd.f32 v18, v14;
	v18 =	vld [tilespmem:s28+$0x430]  }
0x109: {  	s1 =	sadd.s32 $0x80, s1;
	[tilespmem:s28+$0xC050] =	vst v13;
	v7 =	vadd.f32 v16, v7;
	v16 =	vld [tilespmem:s28+$0x440]  }
0x10a: {  	s12 =	sand.u32 $0x380, s1;
	s7 =	sand.u32 $0x3800, s0;
	s0 =	sadd.s32 $0x100, s0;
	[tilespmem:s28+$0xC060] =	vst v14;
	v6 =	vadd.f32 v20, v6;
	v20 =	vld [tilespmem:s28+$0x450]  }
0x10b: {  	[tilespmem:s28+$0xC070] =	vst v7;
	s0 =	sor.u32 s12, s7;
	v21 =	vld [tilespmem:s28+$0x460];
	v5 =	vadd.f32 v19, v5  }
0x10c: {  	v22 =	vld [tilespmem:s0+$0x470];
	[tilespmem:s28+$0xC400] =	vst v6;
	v4 =	vadd.f32 v17, v4  }
0x10d: {  	v42 =	vld [tilespmem:s0+$0x0];
	[tilespmem:s28+$0xC410] =	vst v5;
	v3 =	vadd.f32 v18, v3  }
0x10e: {  	v43 =	vld [tilespmem:s0+$0x10];
	[tilespmem:s28+$0xC420] =	vst v4;
	v2 =	vadd.f32 v16, v2  }
0x10f: {  	v44 =	vld [tilespmem:s0+$0x20];
	[tilespmem:s28+$0xC430] =	vst v3;
	v1 =	vadd.f32 v20, v1  }
0x110: {  	v45 =	vld [tilespmem:s0+$0x30];
	[tilespmem:s28+$0xC440] =	vst v2;
	v0 =	vadd.f32 v21, v0  }
0x111: {  	v46 =	vld [tilespmem:s0+$0x40];
	[tilespmem:s28+$0xC450] =	vst v1;
	v8 =	vadd.f32 v22, v8  }
0x112: {  	v47 =	vld [tilespmem:s0+$0x50];
	v9 =	vadd.f32 v42, v9;
	[tilespmem:s28+$0xC460] =	vst v0  }
0x113: {  	v15 =	vadd.f32 v43, v15;
	v48 =	vld [tilespmem:s0+$0x60];
	[tilespmem:s0+$0xC470] =	vst v8  }
0x114: {  	v50 =	vld [tilespmem:s0+$0x70];
	[tilespmem:s0+$0xC000] =	vst v9;
	v49 =	vadd.f32 v44, v10  }
0x115: {  	v52 =	vld [tilespmem:s0+$0x400];
	[tilespmem:s0+$0xC010] =	vst v15;
	v51 =	vadd.f32 v45, v11  }
0x116: {  	v54 =	vld [tilespmem:s0+$0x410];
	[tilespmem:s0+$0xC020] =	vst v49;
	v53 =	vadd.f32 v46, v12  }
0x117: {  	v56 =	vld [tilespmem:s0+$0x420];
	[tilespmem:s0+$0xC030] =	vst v51;
	v55 =	vadd.f32 v47, v13  }
0x118: {  	v58 =	vld [tilespmem:s0+$0x430];
	[tilespmem:s0+$0xC040] =	vst v53;
	v57 =	vadd.f32 v48, v14  }
0x119: {  	v60 =	vld [tilespmem:s0+$0x440];
	v59 =	vadd.f32 v50, v7;
	[tilespmem:s0+$0xC050] =	vst v55  }
0x11a: {  	v62 =	vld [tilespmem:s0+$0x450];
	v61 =	vadd.f32 v52, v6;
	[tilespmem:s0+$0xC060] =	vst v57  }
0x11b: {  	v63 =	vld [tilespmem:s0+$0x460];
	v5 =	vadd.f32 v54, v5;
	[tilespmem:s0+$0xC070] =	vst v59  }
0x11c: {  	v4 =	vadd.f32 v56, v4;
	[tilespmem:s0+$0xC400] =	vst v61  }
0x11d: {  	v3 =	vadd.f32 v58, v3;
	[tilespmem:s0+$0xC410] =	vst v5  }
0x11e: {  	v2 =	vadd.f32 v60, v2;
	[tilespmem:s0+$0xC420] =	vst v4  }
0x11f: {  	v1 =	vadd.f32 v62, v1;
	[tilespmem:s0+$0xC430] =	vst v3  }
0x120: {  	v0 =	vadd.f32 v63, v0;
	[tilespmem:s0+$0xC440] =	vst v2  }
0x121: {  	[tilespmem:s0+$0xC450] =	vst v1  }
0x122: {  	s31 =	rddreg [dreg:$0x4];
	[tilespmem:s0+$0xC460] =	vst v0  }
0x123: {  	[hbm4b:s31+s14] =	stream.strided.scatter [tilespmem:s18], [sflag:$0x4], $0x4000, s15, s14, $0x38;
	[tilespmem:$0x18000] =	vst v63  }
0x124: {  	_ =	swait.ge [sflag:s25], $0x4000  }
0x125: {  	[sflag:s25] =	ssyncset.done $0x0  }
0x126: {  	s26 =	sadd.s32 $0x1, s26;
	[sflag:s25] =	ssyncadd.s32 $0xFFFFC000  }
0x127: {  	p0 =	sne.s32 s26, s13;
	_ =	swait.ge [sflag:s22], $0x4000  }
.Ltmp8:
0x128: {  	[sflag:s22] =	ssyncset.done $0x0;
	(pc) =	sbr.rel @p0 .LBB2_1-.Ltmp8, $4  }
0x129: {  	[sflag:s22] =	ssyncadd.s32 $0xFFFFC000  }
0x12a: {  	_ =	swait.ge [sflag:s24], $0x4000  }
0x12b: {  	[sflag:s24] =	ssyncset.done $0x0  }
0x12c: {  	[sflag:s24] =	ssyncadd.s32 $0xFFFFC000  }
0x12d: {  	_ =	sfence.sel $0x180000  }
0x12e: {  	[bflag:$0x0] =	sbarrier.arrive $0xFFFF  }
0x12f: {  	_ =	strace $0x90000047  }
0x130: {  	s0 =	stileid.u32;
	[bflag:$0x2] =	sbarrier.arrive $0xFFFF  }
0x131: {  	p0 =	sne.s32 s0, $0x0;
	s0 =	rddreg [dreg:$0x2]  }
0x132: {  	s0 =	sadd.s32 @!p0 $0x100000, s0  }
0x133: {  	[sflag:s0] =	ssyncadd.tile.s32 @!p0 $0x1;
	_ =	shalt  }
.Lfunc_end2:
_tile_overlayer_lowered:
.L_overlay_start_2:
0x134: {  	(tag) =	ssettag $0x2  }
0x135: {  	s0 =	rddreg [dreg:$0x0];
	s2 =	stileid.u32  }
0x136: {  	s1 =	rddreg [dreg:$0x1];
	p0 =	sne.s32 s2, $0x0  }
0x137: {  	s3 =	rddreg [dreg:$0x2];
	[bflag:$0x3] =	sbarrier.arrive $0xFFFF;
	s2 =	simm.s32 @!p0 $0x1C07  }
0x138: {  	[timem:s3], [sflag:s2] =	dma.local @!p0 [hbm:s0], s1  }
0x139: {  	s0 =	simm.s32 @!p0 $0x7  }
0x13a: {  	_ =	swait.ge @!p0 [sflag:s0], s1  }
0x13b: {  	s1 =	ssub.s32 @!p0 $0x0, s1;
	[sflag:s0] =	ssyncset.done @!p0 $0x0  }
0x13c: {  	[sflag:s0] =	ssyncadd.s32 @!p0 s1  }
0x13d: {  	[bflag:$0x3] =	sbarrier.arrive $0xFFFF  }
0x13e: {  	_ =	shalt  }

</sc_bundles>
